<compile_context>
chip_gen: v7x
topology: tpu7x:2x2x1
jax: 0.10.2.dev20260603
libtpu: 0.0.44.dev20260713+nightly
codegen_flags: <defaults>
</compile_context>

<pallas_src>
import functools

import jax
import jax.numpy as jnp
from jax import lax
from jax.experimental import pallas as pl
from jax.experimental.pallas import tpu as pltpu
from jax.experimental.pallas import tpu_sc as plsc

_K = 256
_ROWS = 128
_COLS = 8192
_L = 16
_CHUNKS = _COLS // _L
_NC = 2
_NS = 16
_NW = _NC * _NS
_RPW = _ROWS // _NW
_H = 4096


def kernel(x):
    mesh = plsc.VectorSubcoreMesh(core_axis_name="c", subcore_axis_name="s")

    @functools.partial(
        pl.kernel,
        mesh=mesh,
        out_type=jax.ShapeDtypeStruct((_ROWS, _COLS), jnp.float32),
        scratch_types=[
            pltpu.VMEM((_COLS,), jnp.float32),
            pltpu.VMEM((_H,), jnp.int32),
            pltpu.VMEM((_COLS + _L,), jnp.int32),
            pltpu.VMEM((_COLS + _L,), jnp.int32),
            pltpu.VMEM((_COLS,), jnp.float32),
            pltpu.VMEM((_K + _L,), jnp.int32),
            pltpu.VMEM((_K + _L,), jnp.int32),
        ],
        compiler_params=pltpu.CompilerParams(needs_layout_passes=False),
    )
    def wta(x_hbm, out_hbm, xv, hist, csk, cix, outv, ksk, kix):
        zi16 = jnp.zeros((_L,), jnp.int32)
        zf16 = jnp.zeros((_L,), jnp.float32)
        ones16 = jnp.ones((_L,), jnp.int32)
        lanes = lax.iota(jnp.int32, _L)
        wid = lax.axis_index("s") * _NC + lax.axis_index("c")

        @plsc.parallel_loop(0, _H // _L, unroll=8)
        def _zero_init(i):
            hist[pl.ds(i * _L, _L)] = zi16
            outv[pl.ds(i * _L, _L)] = zf16
            outv[pl.ds((i + _H // _L) * _L, _L)] = zf16

        def sortkey(bits):
            return bits ^ ((bits >> 31) & jnp.int32(0x7FFFFFFF))

        def walk(nchunks, target):
            z = jnp.int32(0)

            def step(base, carry):
                tot, found, sv, sbase, stot = carry
                cvec = hist[pl.ds(base, _L)]
                hist[pl.ds(base, _L)] = zi16
                csum = jnp.sum(cvec)
                hit = jnp.logical_and(found == 0, tot + csum >= target)
                sv = jnp.where(hit, cvec, sv)
                sbase = jnp.where(hit, base, sbase)
                stot = jnp.where(hit, tot, stot)
                found = jnp.where(hit, 1, found)
                return (tot + csum, found, sv, sbase, stot)

            un = 4 if nchunks % 4 == 0 else 1

            def body(i, carry):
                for u in range(un):
                    carry = step((nchunks - 1 - (i * un + u)) * _L, carry)
                return carry

            carry = lax.fori_loop(0, nchunks // un, body,
                                  (z, z, zi16, z, z))
            _, _, sv, sbase, stot = carry

            rc = lax.rev(sv, (0,))
            cum = stot + plsc.cumsum(rc)
            ge = cum >= target
            ge2 = (cum - rc) >= target
            popc = jnp.max(plsc.all_reduce_population_count(ge))
            h = sbase + popc - 1
            cab = stot + jnp.sum(jnp.where(ge, 0, rc))
            cnt_at = jnp.sum(jnp.where(ge, rc, 0)) - \
                jnp.sum(jnp.where(ge2, rc, 0))
            return h, cab, cnt_at

        def do_row(j, carry):
            row = wid * _RPW + j
            pltpu.sync_copy(x_hbm.at[row], xv)

            @plsc.parallel_loop(0, _CHUNKS, unroll=8)
            def _p1(i):
                xb = xv[pl.ds(i * _L, _L)]
                sk = sortkey(lax.bitcast_convert_type(xb, jnp.int32))
                plsc.addupdate_scatter(hist, [(sk >> 20) + 2048], ones16)

            h1, cab1, _ = walk(_H // _L, jnp.int32(_K))
            pfx1 = h1 - 2048
            r1 = _K - cab1

            @plsc.parallel_loop(0, _CHUNKS, unroll=4, carry=jnp.int32(0))
            def pk(i, off):
                xb = xv[pl.ds(i * _L, _L)]
                sk = sortkey(lax.bitcast_convert_type(xb, jnp.int32))
                m = (sk >> 20) >= pfx1
                plsc.store_compressed(csk.at[pl.ds(off, _L)], sk, mask=m)
                plsc.store_compressed(cix.at[pl.ds(off, _L)],
                                      lanes + i * _L, mask=m)
                return off + jnp.max(plsc.all_reduce_population_count(m))

            cnt = pk
            nch = (cnt + _L - 1) // _L

            def refine(pshift, pfx, bshift, bmask, nbins, target):
                @plsc.parallel_loop(0, nch)
                def _rf(i):
                    base = i * _L
                    sk = csk[pl.ds(base, _L)]
                    m = jnp.logical_and(lanes < (cnt - base),
                                        (sk >> pshift) == pfx)
                    plsc.addupdate_scatter(hist, [(sk >> bshift) & bmask],
                                           ones16, mask=m)

                return walk(nbins // _L, target)

            b2a, cabA, _ = refine(20, pfx1, 12, 0xFF, 256, r1)
            pfx_a = (pfx1 << 8) | b2a
            r2a = r1 - cabA
            b2b, cabB, _ = refine(12, pfx_a, 4, 0xFF, 256, r2a)
            pfx_b = (pfx_a << 8) | b2b
            r2b = r2a - cabB
            b3, cabC, cnt_at = refine(4, pfx_b, 0, 0xF, 16, r2b)
            t = (pfx_b << 4) | b3
            tie_budget = r2b - cabC

            @plsc.parallel_loop(0, nch, carry=(jnp.int32(0), jnp.int32(0)))
            def sel(i, c):
                off, used = c
                base = i * _L
                sk = csk[pl.ds(base, _L)]
                ix = cix[pl.ds(base, _L)]
                valid = lanes < (cnt - base)
                gt = jnp.logical_and(valid, sk > t)
                eq = jnp.logical_and(valid, sk == t)
                eq_i = jnp.where(eq, 1, 0)
                tie_rank = used + plsc.cumsum(eq_i)
                keep = gt | jnp.logical_and(eq, tie_rank <= tie_budget)
                plsc.store_compressed(ksk.at[pl.ds(off, _L)], sk, mask=keep)
                plsc.store_compressed(kix.at[pl.ds(off, _L)], ix, mask=keep)
                off = off + jnp.max(plsc.all_reduce_population_count(keep))
                return (off, jnp.max(tie_rank))

            @plsc.parallel_loop(0, _K // _L, unroll=4)
            def _emit(i):
                sk = ksk[pl.ds(i * _L, _L)]
                ix = kix[pl.ds(i * _L, _L)]
                vals = lax.bitcast_convert_type(sortkey(sk), jnp.float32)
                plsc.store_scatter(outv, [ix], vals)

            pltpu.sync_copy(outv, out_hbm.at[row])

            @plsc.parallel_loop(0, _K // _L, unroll=4)
            def _unemit(i):
                ix = kix[pl.ds(i * _L, _L)]
                plsc.store_scatter(outv, [ix], zf16)

            return carry

        lax.fori_loop(0, _RPW, do_row, 0)

    return wta(x)

# --- scband reference (transcript-rebuilt; emitter-appended) ---
"""Pipeline reference for scband-wta-18708877541407 (READ-ONLY COPY).

The authoritative reference and input builder live on the scoring server;
editing this copy changes nothing except your own understanding.
"""

import jax, jax.numpy as jnp
import numpy as np

K = 256

def setup_inputs(seed: int = 0) -> dict:
    key = jax.random.key(seed)
    x = jax.random.normal(key, (128, 8192), dtype=jnp.float32)
    return {"x": x}

def reference(x):
    # WTA: top-k along dim=1, return the densified equivalent of the sparse
    # COO tensor the torch module builds (topk values at their indices, zeros elsewhere).
    vals, idx = jax.lax.top_k(x, K)
    rows = jnp.arange(x.shape[0])[:, None]
    out = jnp.zeros_like(x).at[rows, idx].set(vals)
    return out

if __name__ == "__main__":
    import jax
    _d = setup_inputs()
    print(jax.jit(kernel)(*tuple(_d.values())))

</pallas_src>

<mosaic_0001>
#map = affine_map<(d0, d1) -> (0, 0)>
module attributes {stable_mosaic.version = 14 : i64} {
  func.func @wta(%arg0: i32, %arg1: i32, %arg2: memref<128x8192xf32, #tpu.memory_space<hbm>>, %arg3: memref<128x8192xf32, #tpu.memory_space<hbm>>, %arg4: memref<8192xf32, #tpu.memory_space<vmem>>, %arg5: memref<4096xi32, #tpu.memory_space<vmem>>, %arg6: memref<8208xi32, #tpu.memory_space<vmem>>, %arg7: memref<8208xi32, #tpu.memory_space<vmem>>, %arg8: memref<8192xf32, #tpu.memory_space<vmem>>, %arg9: memref<272xi32, #tpu.memory_space<vmem>>, %arg10: memref<272xi32, #tpu.memory_space<vmem>>) attributes {dimension_semantics = [#tpu.dimension_semantics<core_parallel>, #tpu.dimension_semantics<subcore_parallel>], iteration_bounds = array<i64: 2, 16>, scalar_prefetch = 0 : i64, scratch_operands = 7 : i64, tpu.core_type = #tpu.core_type<sc_vector_subcore>, window_params = [{transform_indices = #map}, {transform_indices = #map}]} {
    %broadcast_in_dim3A = arith.constant 0 : i32
    %broadcast_in_dim3A_0 = vector.broadcast %broadcast_in_dim3A : i32 to vector<16xi32>
    %broadcast_in_dim3A_1 = arith.constant 0.000000e+00 : f32
    %broadcast_in_dim3A_2 = vector.broadcast %broadcast_in_dim3A_1 : f32 to vector<16xf32>
    %broadcast_in_dim3A_3 = arith.constant 1 : i32
    %broadcast_in_dim3A_4 = vector.broadcast %broadcast_in_dim3A_3 : i32 to vector<16xi32>
    %iota3A = tpu.iota {dimensions = array<i32: 0>} : vector<16xi32>
    %mul3A = arith.constant 2 : i32
    %mul3A_5 = arith.muli %arg1, %mul3A : i32
    %add3A = arith.addi %mul3A_5, %arg0 : i32
    %parallel_loop3A = arith.constant 0 : i32
    %parallel_loop3A_6 = arith.constant 256 : i32
    %parallel_loop3A_7 = arith.constant 1 : i32
    scf.for %parallel_loop3A_13 = %parallel_loop3A to %parallel_loop3A_6 step %parallel_loop3A_7  : i32 {
      %parallel_loop3A_14 = arith.constant 16 : i32
      %parallel_loop3A_15 = arith.muli %parallel_loop3A_13, %parallel_loop3A_14 : i32
      %parallel_loop3A_16 = arith.index_cast %parallel_loop3A_15 : i32 to index
      %parallel_loop3A_17 = tpu.vector_load %arg5[%parallel_loop3A_16] {strides = array<i32>} : memref<4096xi32, #tpu.memory_space<vmem>>, vector<16xi32>,
      tpu.vector_store %arg5[%parallel_loop3A_16], %broadcast_in_dim3A_0 {strides = array<i32>} : memref<4096xi32, #tpu.memory_space<vmem>>, vector<16xi32>,
      %parallel_loop3A_18 = arith.constant 16 : i32
      %parallel_loop3A_19 = arith.muli %parallel_loop3A_13, %parallel_loop3A_18 : i32
      %parallel_loop3A_20 = arith.index_cast %parallel_loop3A_19 : i32 to index
      %parallel_loop3A_21 = tpu.vector_load %arg8[%parallel_loop3A_20] {strides = array<i32>} : memref<8192xf32, #tpu.memory_space<vmem>>, vector<16xf32>,
      tpu.vector_store %arg8[%parallel_loop3A_20], %broadcast_in_dim3A_2 {strides = array<i32>} : memref<8192xf32, #tpu.memory_space<vmem>>, vector<16xf32>,
      %parallel_loop3A_22 = arith.constant 256 : i32
      %parallel_loop3A_23 = arith.addi %parallel_loop3A_13, %parallel_loop3A_22 : i32
      %parallel_loop3A_24 = arith.constant 16 : i32
      %parallel_loop3A_25 = arith.muli %parallel_loop3A_23, %parallel_loop3A_24 : i32
      %parallel_loop3A_26 = arith.index_cast %parallel_loop3A_25 : i32 to index
      %parallel_loop3A_27 = tpu.vector_load %arg8[%parallel_loop3A_26] {strides = array<i32>} : memref<8192xf32, #tpu.memory_space<vmem>>, vector<16xf32>,
      tpu.vector_store %arg8[%parallel_loop3A_26], %broadcast_in_dim3A_2 {strides = array<i32>} : memref<8192xf32, #tpu.memory_space<vmem>>, vector<16xf32>,
    } {sc.loop_unroll_factor = 8 : i64, sc.parallel_access}
    %scan3A = arith.constant 0 : i32
    %scan3A_8 = arith.constant 0 : i32
    %scan3A_9 = arith.constant 4 : i32
    %scan3A_10 = arith.addi %scan3A_8, %scan3A_9 : i32
    %scan3A_11 = arith.constant 1 : i32
    scf.for %scan3A_13 = %scan3A_8 to %scan3A_10 step %scan3A_11  : i32 {
      %mul3A_14 = arith.constant 4 : i32
      %mul3A_15 = arith.muli %add3A, %mul3A_14 : i32
      %add3A_16 = arith.addi %mul3A_15, %scan3A_13 : i32
      "tpu.region"() ({
        %run_scoped3A = tpu.sem_alloc : memref<!tpu.dma_semaphore, #tpu.memory_space<semaphore_mem>>
        %dma_start3A = arith.constant 0 : i32
        %dma_start3A_333 = tpu.memref_slice %arg2[%add3A_16, %dma_start3A] : memref<128x8192xf32, #tpu.memory_space<hbm>> -> memref<1x8192xf32, #tpu.memory_space<hbm>>
        %dma_start3A_334 = tpu.memref_squeeze %dma_start3A_333 : memref<1x8192xf32, #tpu.memory_space<hbm>> -> memref<8192xf32, #tpu.memory_space<hbm>>
        %dma_start3A_335 = arith.constant 0 : i32
        %dma_start3A_336 = tpu.memref_slice %arg2[%add3A_16, %dma_start3A_335] : memref<128x8192xf32, #tpu.memory_space<hbm>> -> memref<1x8192xf32, #tpu.memory_space<hbm>>
        %dma_start3A_337 = tpu.memref_squeeze %dma_start3A_336 : memref<1x8192xf32, #tpu.memory_space<hbm>> -> memref<8192xf32, #tpu.memory_space<hbm>>
        tpu.enqueue_dma source(%dma_start3A_337 : memref<8192xf32, #tpu.memory_space<hbm>>) target(%arg4 : memref<8192xf32, #tpu.memory_space<vmem>>) target_semaphore(%run_scoped3A : memref<!tpu.dma_semaphore, #tpu.memory_space<semaphore_mem>>)
        %dma_wait3A = arith.constant 0 : i32
        %dma_wait3A_338 = tpu.memref_slice %arg2[%add3A_16, %dma_wait3A] : memref<128x8192xf32, #tpu.memory_space<hbm>> -> memref<1x8192xf32, #tpu.memory_space<hbm>>
        %dma_wait3A_339 = tpu.memref_squeeze %dma_wait3A_338 : memref<1x8192xf32, #tpu.memory_space<hbm>> -> memref<8192xf32, #tpu.memory_space<hbm>>
        %dma_wait3A_340 = arith.constant 0 : i32
        %dma_wait3A_341 = tpu.memref_slice %arg2[%add3A_16, %dma_wait3A_340] : memref<128x8192xf32, #tpu.memory_space<hbm>> -> memref<1x8192xf32, #tpu.memory_space<hbm>>
        %dma_wait3A_342 = tpu.memref_squeeze %dma_wait3A_341 : memref<1x8192xf32, #tpu.memory_space<hbm>> -> memref<8192xf32, #tpu.memory_space<hbm>>
        tpu.wait_dma2 semaphore(%run_scoped3A : memref<!tpu.dma_semaphore, #tpu.memory_space<semaphore_mem>>) src(%dma_wait3A_342 : memref<8192xf32, #tpu.memory_space<hbm>>) dst(%arg4 : memref<8192xf32, #tpu.memory_space<vmem>>)
        tpu.yield
      }) : () -> ()
      %parallel_loop3A_17 = arith.constant 0 : i32
      %parallel_loop3A_18 = arith.constant 512 : i32
      %parallel_loop3A_19 = arith.constant 1 : i32
      scf.for %parallel_loop3A_333 = %parallel_loop3A_17 to %parallel_loop3A_18 step %parallel_loop3A_19  : i32 {
        %parallel_loop3A_334 = arith.constant 16 : i32
        %parallel_loop3A_335 = arith.muli %parallel_loop3A_333, %parallel_loop3A_334 : i32
        %parallel_loop3A_336 = arith.index_cast %parallel_loop3A_335 : i32 to index
        %parallel_loop3A_337 = tpu.vector_load %arg4[%parallel_loop3A_336] {strides = array<i32>} : memref<8192xf32, #tpu.memory_space<vmem>>, vector<16xf32>,
        %parallel_loop3A_338 = tpu.bitcast %parallel_loop3A_337 : vector<16xf32> -> vector<16xi32>
        %parallel_loop3A_339 = arith.constant 31 : i32
        %parallel_loop3A_340 = vector.broadcast %parallel_loop3A_339 : i32 to vector<16xi32>
        %parallel_loop3A_341 = arith.shrsi %parallel_loop3A_338, %parallel_loop3A_340 : vector<16xi32>
        %parallel_loop3A_342 = arith.constant 2147483647 : i32
        %parallel_loop3A_343 = vector.broadcast %parallel_loop3A_342 : i32 to vector<16xi32>
        %parallel_loop3A_344 = arith.andi %parallel_loop3A_341, %parallel_loop3A_343 : vector<16xi32>
        %parallel_loop3A_345 = arith.xori %parallel_loop3A_338, %parallel_loop3A_344 : vector<16xi32>
        %parallel_loop3A_346 = arith.constant 20 : i32
        %parallel_loop3A_347 = vector.broadcast %parallel_loop3A_346 : i32 to vector<16xi32>
        %parallel_loop3A_348 = arith.shrsi %parallel_loop3A_345, %parallel_loop3A_347 : vector<16xi32>
        %parallel_loop3A_349 = arith.constant 2048 : i32
        %parallel_loop3A_350 = vector.broadcast %parallel_loop3A_349 : i32 to vector<16xi32>
        %parallel_loop3A_351 = arith.addi %parallel_loop3A_348, %parallel_loop3A_350 : vector<16xi32>
        tpu.vector_store_idx %arg5[%parallel_loop3A_351], %broadcast_in_dim3A_4 {add = true} : memref<4096xi32, #tpu.memory_space<vmem>>[vector<16xi32>], vector<16xi32>,
      } {sc.loop_unroll_factor = 8 : i64, sc.parallel_access}
      %scan3A_20 = arith.constant 256 : i32
      %scan3A_21 = arith.constant 0 : i32
      %scan3A_22 = arith.constant 0 : i32
      %scan3A_23 = arith.constant 0 : i32
      %scan3A_24 = arith.constant 0 : i32
      %scan3A_25 = arith.constant 0 : i32
      %scan3A_26 = arith.constant 64 : i32
      %scan3A_27 = arith.addi %scan3A_25, %scan3A_26 : i32
      %scan3A_28 = arith.constant 1 : i32
      %scan3A_29:5 = scf.for %scan3A_333 = %scan3A_25 to %scan3A_27 step %scan3A_28 iter_args(%scan3A_334 = %scan3A_21, %scan3A_335 = %scan3A_22, %scan3A_336 = %broadcast_in_dim3A_0, %scan3A_337 = %scan3A_23, %scan3A_338 = %scan3A_24) -> (i32, i32, vector<16xi32>, i32, i32)  : i32 {
        %mul3A_339 = arith.constant 4 : i32
        %mul3A_340 = arith.muli %scan3A_333, %mul3A_339 : i32
        %add3A_341 = arith.constant 0 : i32
        %add3A_342 = arith.addi %mul3A_340, %add3A_341 : i32
        %sub3A_343 = arith.constant 255 : i32
        %sub3A_344 = arith.subi %sub3A_343, %add3A_342 : i32
        %mul3A_345 = arith.constant 16 : i32
        %mul3A_346 = arith.muli %sub3A_344, %mul3A_345 : i32
        %get3A_347 = arith.index_cast %mul3A_346 : i32 to index
        %get3A_348 = tpu.vector_load %arg5[%get3A_347] {strides = array<i32>} : memref<4096xi32, #tpu.memory_space<vmem>>, vector<16xi32>,
        %swap3A_349 = arith.index_cast %mul3A_346 : i32 to index
        %swap3A_350 = tpu.vector_load %arg5[%swap3A_349] {strides = array<i32>} : memref<4096xi32, #tpu.memory_space<vmem>>, vector<16xi32>,
        tpu.vector_store %arg5[%swap3A_349], %broadcast_in_dim3A_0 {strides = array<i32>} : memref<4096xi32, #tpu.memory_space<vmem>>, vector<16xi32>,
        %reduce_sum3A_351 = arith.constant true
        %reduce_sum3A_352 = vector.broadcast %reduce_sum3A_351 : i1 to vector<16xi1>
        %reduce_sum3A_353 = tpu.scan <sum>, %get3A_348 masked %reduce_sum3A_352 : vector<16xi32>, vector<16xi1> -> vector<16xi32>
        %reduce_sum3A_354 = vector.extract %reduce_sum3A_353[15] : i32 from vector<16xi32>
        %eq3A_355 = arith.constant 0 : i32
        %eq3A_356 = arith.cmpi eq, %scan3A_335, %eq3A_355 : i32
        %add3A_357 = arith.addi %scan3A_334, %reduce_sum3A_354 : i32
        %ge3A_358 = arith.cmpi sge, %add3A_357, %scan3A_20 : i32
        %and3A_359 = arith.andi %eq3A_356, %ge3A_358 : i1
        %select_n3A_360 = arith.select %and3A_359, %get3A_348, %scan3A_336 : vector<16xi32>
        %select_n3A_361 = arith.select %and3A_359, %mul3A_346, %scan3A_337 : i32
        %select_n3A_362 = arith.select %and3A_359, %scan3A_334, %scan3A_338 : i32
        %jit3A_363 = arith.constant 1 : i32
        %select_n3A_364 = arith.select %and3A_359, %jit3A_363, %scan3A_335 : i32
        %add3A_365 = arith.addi %scan3A_334, %reduce_sum3A_354 : i32
        %mul3A_366 = arith.constant 4 : i32
        %mul3A_367 = arith.muli %scan3A_333, %mul3A_366 : i32
        %add3A_368 = arith.constant 1 : i32
        %add3A_369 = arith.addi %mul3A_367, %add3A_368 : i32
        %sub3A_370 = arith.constant 255 : i32
        %sub3A_371 = arith.subi %sub3A_370, %add3A_369 : i32
        %mul3A_372 = arith.constant 16 : i32
        %mul3A_373 = arith.muli %sub3A_371, %mul3A_372 : i32
        %get3A_374 = arith.index_cast %mul3A_373 : i32 to index
        %get3A_375 = tpu.vector_load %arg5[%get3A_374] {strides = array<i32>} : memref<4096xi32, #tpu.memory_space<vmem>>, vector<16xi32>,
        %swap3A_376 = arith.index_cast %mul3A_373 : i32 to index
        %swap3A_377 = tpu.vector_load %arg5[%swap3A_376] {strides = array<i32>} : memref<4096xi32, #tpu.memory_space<vmem>>, vector<16xi32>,
        tpu.vector_store %arg5[%swap3A_376], %broadcast_in_dim3A_0 {strides = array<i32>} : memref<4096xi32, #tpu.memory_space<vmem>>, vector<16xi32>,
        %reduce_sum3A_378 = arith.constant true
        %reduce_sum3A_379 = vector.broadcast %reduce_sum3A_378 : i1 to vector<16xi1>
        %reduce_sum3A_380 = tpu.scan <sum>, %get3A_375 masked %reduce_sum3A_379 : vector<16xi32>, vector<16xi1> -> vector<16xi32>
        %reduce_sum3A_381 = vector.extract %reduce_sum3A_380[15] : i32 from vector<16xi32>
        %eq3A_382 = arith.constant 0 : i32
        %eq3A_383 = arith.cmpi eq, %select_n3A_364, %eq3A_382 : i32
        %add3A_384 = arith.addi %add3A_365, %reduce_sum3A_381 : i32
        %ge3A_385 = arith.cmpi sge, %add3A_384, %scan3A_20 : i32
        %and3A_386 = arith.andi %eq3A_383, %ge3A_385 : i1
        %select_n3A_387 = arith.select %and3A_386, %get3A_375, %select_n3A_360 : vector<16xi32>
        %select_n3A_388 = arith.select %and3A_386, %mul3A_373, %select_n3A_361 : i32
        %select_n3A_389 = arith.select %and3A_386, %add3A_365, %select_n3A_362 : i32
        %jit3A_390 = arith.constant 1 : i32
        %select_n3A_391 = arith.select %and3A_386, %jit3A_390, %select_n3A_364 : i32
        %add3A_392 = arith.addi %add3A_365, %reduce_sum3A_381 : i32
        %mul3A_393 = arith.constant 4 : i32
        %mul3A_394 = arith.muli %scan3A_333, %mul3A_393 : i32
        %add3A_395 = arith.constant 2 : i32
        %add3A_396 = arith.addi %mul3A_394, %add3A_395 : i32
        %sub3A_397 = arith.constant 255 : i32
        %sub3A_398 = arith.subi %sub3A_397, %add3A_396 : i32
        %mul3A_399 = arith.constant 16 : i32
        %mul3A_400 = arith.muli %sub3A_398, %mul3A_399 : i32
        %get3A_401 = arith.index_cast %mul3A_400 : i32 to index
        %get3A_402 = tpu.vector_load %arg5[%get3A_401] {strides = array<i32>} : memref<4096xi32, #tpu.memory_space<vmem>>, vector<16xi32>,
        %swap3A_403 = arith.index_cast %mul3A_400 : i32 to index
        %swap3A_404 = tpu.vector_load %arg5[%swap3A_403] {strides = array<i32>} : memref<4096xi32, #tpu.memory_space<vmem>>, vector<16xi32>,
        tpu.vector_store %arg5[%swap3A_403], %broadcast_in_dim3A_0 {strides = array<i32>} : memref<4096xi32, #tpu.memory_space<vmem>>, vector<16xi32>,
        %reduce_sum3A_405 = arith.constant true
        %reduce_sum3A_406 = vector.broadcast %reduce_sum3A_405 : i1 to vector<16xi1>
        %reduce_sum3A_407 = tpu.scan <sum>, %get3A_402 masked %reduce_sum3A_406 : vector<16xi32>, vector<16xi1> -> vector<16xi32>
        %reduce_sum3A_408 = vector.extract %reduce_sum3A_407[15] : i32 from vector<16xi32>
        %eq3A_409 = arith.constant 0 : i32
        %eq3A_410 = arith.cmpi eq, %select_n3A_391, %eq3A_409 : i32
        %add3A_411 = arith.addi %add3A_392, %reduce_sum3A_408 : i32
        %ge3A_412 = arith.cmpi sge, %add3A_411, %scan3A_20 : i32
        %and3A_413 = arith.andi %eq3A_410, %ge3A_412 : i1
        %select_n3A_414 = arith.select %and3A_413, %get3A_402, %select_n3A_387 : vector<16xi32>
        %select_n3A_415 = arith.select %and3A_413, %mul3A_400, %select_n3A_388 : i32
        %select_n3A_416 = arith.select %and3A_413, %add3A_392, %select_n3A_389 : i32
        %jit3A_417 = arith.constant 1 : i32
        %select_n3A_418 = arith.select %and3A_413, %jit3A_417, %select_n3A_391 : i32
        %add3A_419 = arith.addi %add3A_392, %reduce_sum3A_408 : i32
        %mul3A_420 = arith.constant 4 : i32
        %mul3A_421 = arith.muli %scan3A_333, %mul3A_420 : i32
        %add3A_422 = arith.constant 3 : i32
        %add3A_423 = arith.addi %mul3A_421, %add3A_422 : i32
        %sub3A_424 = arith.constant 255 : i32
        %sub3A_425 = arith.subi %sub3A_424, %add3A_423 : i32
        %mul3A_426 = arith.constant 16 : i32
        %mul3A_427 = arith.muli %sub3A_425, %mul3A_426 : i32
        %get3A_428 = arith.index_cast %mul3A_427 : i32 to index
        %get3A_429 = tpu.vector_load %arg5[%get3A_428] {strides = array<i32>} : memref<4096xi32, #tpu.memory_space<vmem>>, vector<16xi32>,
        %swap3A_430 = arith.index_cast %mul3A_427 : i32 to index
        %swap3A_431 = tpu.vector_load %arg5[%swap3A_430] {strides = array<i32>} : memref<4096xi32, #tpu.memory_space<vmem>>, vector<16xi32>,
        tpu.vector_store %arg5[%swap3A_430], %broadcast_in_dim3A_0 {strides = array<i32>} : memref<4096xi32, #tpu.memory_space<vmem>>, vector<16xi32>,
        %reduce_sum3A_432 = arith.constant true
        %reduce_sum3A_433 = vector.broadcast %reduce_sum3A_432 : i1 to vector<16xi1>
        %reduce_sum3A_434 = tpu.scan <sum>, %get3A_429 masked %reduce_sum3A_433 : vector<16xi32>, vector<16xi1> -> vector<16xi32>
        %reduce_sum3A_435 = vector.extract %reduce_sum3A_434[15] : i32 from vector<16xi32>
        %eq3A_436 = arith.constant 0 : i32
        %eq3A_437 = arith.cmpi eq, %select_n3A_418, %eq3A_436 : i32
        %add3A_438 = arith.addi %add3A_419, %reduce_sum3A_435 : i32
        %ge3A_439 = arith.cmpi sge, %add3A_438, %scan3A_20 : i32
        %and3A_440 = arith.andi %eq3A_437, %ge3A_439 : i1
        %select_n3A_441 = arith.select %and3A_440, %get3A_429, %select_n3A_414 : vector<16xi32>
        %select_n3A_442 = arith.select %and3A_440, %mul3A_427, %select_n3A_415 : i32
        %select_n3A_443 = arith.select %and3A_440, %add3A_419, %select_n3A_416 : i32
        %jit3A_444 = arith.constant 1 : i32
        %select_n3A_445 = arith.select %and3A_440, %jit3A_444, %select_n3A_418 : i32
        %add3A_446 = arith.addi %add3A_419, %reduce_sum3A_435 : i32
        scf.yield %add3A_446, %select_n3A_445, %select_n3A_441, %select_n3A_442, %select_n3A_443 : i32, i32, vector<16xi32>, i32, i32
      }
      %scan3A_30 = arith.constant 64 : i32
      %rev3A = arith.constant 15 : i32
      %rev3A_31 = vector.broadcast %rev3A : i32 to vector<16xi32>
      %rev3A_32 = tpu.iota {dimensions = array<i32: 0>} : vector<16xi32>
      %rev3A_33 = arith.subi %rev3A_31, %rev3A_32 : vector<16xi32>
      %rev3A_34 = tpu.dynamic_gather %scan3A_29#2[%rev3A_33] in [0] : vector<16xi32>, vector<16xi32> -> vector<16xi32>
      %broadcast_in_dim3A_35 = arith.constant true
      %broadcast_in_dim3A_36 = vector.broadcast %broadcast_in_dim3A_35 : i1 to vector<16xi1>
      %masked_cumsum3A = tpu.scan <sum>, %rev3A_34 masked %broadcast_in_dim3A_36 : vector<16xi32>, vector<16xi1> -> vector<16xi32>
      %add3A_37 = vector.broadcast %scan3A_29#4 : i32 to vector<16xi32>
      %add3A_38 = arith.addi %add3A_37, %masked_cumsum3A : vector<16xi32>
      %ge3A = arith.constant 256 : i32
      %ge3A_39 = vector.broadcast %ge3A : i32 to vector<16xi32>
      %ge3A_40 = arith.cmpi sge, %add3A_38, %ge3A_39 : vector<16xi32>
      %sub3A = arith.subi %add3A_38, %rev3A_34 : vector<16xi32>
      %ge3A_41 = arith.constant 256 : i32
      %ge3A_42 = vector.broadcast %ge3A_41 : i32 to vector<16xi32>
      %ge3A_43 = arith.cmpi sge, %sub3A, %ge3A_42 : vector<16xi32>
      %all_reduce_population_count3A = tpu.all_reduce %ge3A_40 {dim = 0 : i64, kind = #tpu.reduction_kind<sum>} : vector<16xi1> -> vector<16xi32>
      %reduce_max3A = arith.constant true
      %reduce_max3A_44 = vector.broadcast %reduce_max3A : i1 to vector<16xi1>
      %reduce_max3A_45 = arith.constant -2147483648 : i32
      %reduce_max3A_46 = vector.broadcast %reduce_max3A_45 : i32 to vector<16xi32>
      %reduce_max3A_47 = arith.xori %all_reduce_population_count3A, %reduce_max3A_46 : vector<16xi32>
      %reduce_max3A_48 = tpu.scan <max>, %reduce_max3A_47 masked %reduce_max3A_44 : vector<16xi32>, vector<16xi1> -> vector<16xi32>
      %reduce_max3A_49 = arith.xori %reduce_max3A_48, %reduce_max3A_46 : vector<16xi32>
      %reduce_max3A_50 = vector.extract %reduce_max3A_49[15] : i32 from vector<16xi32>
      %add3A_51 = arith.addi %scan3A_29#3, %reduce_max3A_50 : i32
      %sub3A_52 = arith.constant 1 : i32
      %sub3A_53 = arith.subi %add3A_51, %sub3A_52 : i32
      %jit3A = arith.constant 0 : i32
      %broadcast_in_dim3A_54 = vector.broadcast %jit3A : i32 to vector<16xi32>
      %select_n3A = arith.select %ge3A_40, %broadcast_in_dim3A_54, %rev3A_34 : vector<16xi1>, vector<16xi32>
      %reduce_sum3A = arith.constant true
      %reduce_sum3A_55 = vector.broadcast %reduce_sum3A : i1 to vector<16xi1>
      %reduce_sum3A_56 = tpu.scan <sum>, %select_n3A masked %reduce_sum3A_55 : vector<16xi32>, vector<16xi1> -> vector<16xi32>
      %reduce_sum3A_57 = vector.extract %reduce_sum3A_56[15] : i32 from vector<16xi32>
      %add3A_58 = arith.addi %scan3A_29#4, %reduce_sum3A_57 : i32
      %jit3A_59 = arith.constant 0 : i32
      %broadcast_in_dim3A_60 = vector.broadcast %jit3A_59 : i32 to vector<16xi32>
      %select_n3A_61 = arith.select %ge3A_40, %rev3A_34, %broadcast_in_dim3A_60 : vector<16xi1>, vector<16xi32>
      %reduce_sum3A_62 = arith.constant true
      %reduce_sum3A_63 = vector.broadcast %reduce_sum3A_62 : i1 to vector<16xi1>
      %reduce_sum3A_64 = tpu.scan <sum>, %select_n3A_61 masked %reduce_sum3A_63 : vector<16xi32>, vector<16xi1> -> vector<16xi32>
      %reduce_sum3A_65 = vector.extract %reduce_sum3A_64[15] : i32 from vector<16xi32>
      %jit3A_66 = arith.constant 0 : i32
      %broadcast_in_dim3A_67 = vector.broadcast %jit3A_66 : i32 to vector<16xi32>
      %select_n3A_68 = arith.select %ge3A_43, %rev3A_34, %broadcast_in_dim3A_67 : vector<16xi1>, vector<16xi32>
      %reduce_sum3A_69 = arith.constant true
      %reduce_sum3A_70 = vector.broadcast %reduce_sum3A_69 : i1 to vector<16xi1>
      %reduce_sum3A_71 = tpu.scan <sum>, %select_n3A_68 masked %reduce_sum3A_70 : vector<16xi32>, vector<16xi1> -> vector<16xi32>
      %reduce_sum3A_72 = vector.extract %reduce_sum3A_71[15] : i32 from vector<16xi32>
      %sub3A_73 = arith.subi %reduce_sum3A_65, %reduce_sum3A_72 : i32
      %sub3A_74 = arith.constant 2048 : i32
      %sub3A_75 = arith.subi %sub3A_53, %sub3A_74 : i32
      %sub3A_76 = arith.constant 256 : i32
      %sub3A_77 = arith.subi %sub3A_76, %add3A_58 : i32
      %parallel_loop3A_78 = arith.constant 0 : i32
      %parallel_loop3A_79 = arith.constant 512 : i32
      %parallel_loop3A_80 = arith.constant 1 : i32
      %parallel_loop3A_81 = arith.constant 0 : i32
      %parallel_loop3A_82 = scf.for %parallel_loop3A_333 = %parallel_loop3A_78 to %parallel_loop3A_79 step %parallel_loop3A_80 iter_args(%parallel_loop3A_334 = %parallel_loop3A_81) -> (i32)  : i32 {
        %parallel_loop3A_335 = arith.constant 16 : i32
        %parallel_loop3A_336 = arith.muli %parallel_loop3A_333, %parallel_loop3A_335 : i32
        %parallel_loop3A_337 = arith.index_cast %parallel_loop3A_336 : i32 to index
        %parallel_loop3A_338 = tpu.vector_load %arg4[%parallel_loop3A_337] {strides = array<i32>} : memref<8192xf32, #tpu.memory_space<vmem>>, vector<16xf32>,
        %parallel_loop3A_339 = tpu.bitcast %parallel_loop3A_338 : vector<16xf32> -> vector<16xi32>
        %parallel_loop3A_340 = arith.constant 31 : i32
        %parallel_loop3A_341 = vector.broadcast %parallel_loop3A_340 : i32 to vector<16xi32>
        %parallel_loop3A_342 = arith.shrsi %parallel_loop3A_339, %parallel_loop3A_341 : vector<16xi32>
        %parallel_loop3A_343 = arith.constant 2147483647 : i32
        %parallel_loop3A_344 = vector.broadcast %parallel_loop3A_343 : i32 to vector<16xi32>
        %parallel_loop3A_345 = arith.andi %parallel_loop3A_342, %parallel_loop3A_344 : vector<16xi32>
        %parallel_loop3A_346 = arith.xori %parallel_loop3A_339, %parallel_loop3A_345 : vector<16xi32>
        %parallel_loop3A_347 = arith.constant 20 : i32
        %parallel_loop3A_348 = vector.broadcast %parallel_loop3A_347 : i32 to vector<16xi32>
        %parallel_loop3A_349 = arith.shrsi %parallel_loop3A_346, %parallel_loop3A_348 : vector<16xi32>
        %parallel_loop3A_350 = vector.broadcast %sub3A_75 : i32 to vector<16xi32>
        %parallel_loop3A_351 = arith.cmpi sge, %parallel_loop3A_349, %parallel_loop3A_350 : vector<16xi32>
        %parallel_loop3A_352 = arith.index_cast %parallel_loop3A_334 : i32 to index
        %parallel_loop3A_353 = tpu.vector_load %arg6[%parallel_loop3A_352] masked %parallel_loop3A_351 {strides = array<i32>} : memref<8208xi32, #tpu.memory_space<vmem>>, vector<16xi32>, vector<16xi1>
        tpu.vector_store %arg6[%parallel_loop3A_352], %parallel_loop3A_346 masked %parallel_loop3A_351 {strides = array<i32>} : memref<8208xi32, #tpu.memory_space<vmem>>, vector<16xi32>, vector<16xi1>
        %parallel_loop3A_354 = arith.constant 16 : i32
        %parallel_loop3A_355 = arith.muli %parallel_loop3A_333, %parallel_loop3A_354 : i32
        %parallel_loop3A_356 = vector.broadcast %parallel_loop3A_355 : i32 to vector<16xi32>
        %parallel_loop3A_357 = arith.addi %iota3A, %parallel_loop3A_356 : vector<16xi32>
        %parallel_loop3A_358 = arith.index_cast %parallel_loop3A_334 : i32 to index
        %parallel_loop3A_359 = tpu.vector_load %arg7[%parallel_loop3A_358] masked %parallel_loop3A_351 {strides = array<i32>} : memref<8208xi32, #tpu.memory_space<vmem>>, vector<16xi32>, vector<16xi1>
        tpu.vector_store %arg7[%parallel_loop3A_358], %parallel_loop3A_357 masked %parallel_loop3A_351 {strides = array<i32>} : memref<8208xi32, #tpu.memory_space<vmem>>, vector<16xi32>, vector<16xi1>
        %parallel_loop3A_360 = tpu.all_reduce %parallel_loop3A_351 {dim = 0 : i64, kind = #tpu.reduction_kind<sum>} : vector<16xi1> -> vector<16xi32>
        %parallel_loop3A_361 = arith.constant true
        %parallel_loop3A_362 = vector.broadcast %parallel_loop3A_361 : i1 to vector<16xi1>
        %parallel_loop3A_363 = arith.constant -2147483648 : i32
        %parallel_loop3A_364 = vector.broadcast %parallel_loop3A_363 : i32 to vector<16xi32>
        %parallel_loop3A_365 = arith.xori %parallel_loop3A_360, %parallel_loop3A_364 : vector<16xi32>
        %parallel_loop3A_366 = tpu.scan <max>, %parallel_loop3A_365 masked %parallel_loop3A_362 : vector<16xi32>, vector<16xi1> -> vector<16xi32>
        %parallel_loop3A_367 = arith.xori %parallel_loop3A_366, %parallel_loop3A_364 : vector<16xi32>
        %parallel_loop3A_368 = vector.extract %parallel_loop3A_367[15] : i32 from vector<16xi32>
        %parallel_loop3A_369 = arith.addi %parallel_loop3A_334, %parallel_loop3A_368 : i32
        scf.yield %parallel_loop3A_369 : i32
      } {sc.loop_unroll_factor = 4 : i64, sc.parallel_access}
      %add3A_83 = arith.constant 16 : i32
      %add3A_84 = arith.addi %parallel_loop3A_82, %add3A_83 : i32
      %sub3A_85 = arith.constant 1 : i32
      %sub3A_86 = arith.subi %add3A_84, %sub3A_85 : i32
      %jit3A_87 = arith.constant 16 : i32
      %div3A = arith.divsi %sub3A_86, %jit3A_87 : i32
      %sign3A = arith.constant 0 : i32
      %sign3A_88 = arith.cmpi sgt, %sub3A_86, %sign3A : i32
      %sign3A_89 = arith.extui %sign3A_88 : i1 to i32
      %sign3A_90 = arith.constant 0 : i32
      %sign3A_91 = arith.cmpi slt, %sub3A_86, %sign3A_90 : i32
      %sign3A_92 = arith.extui %sign3A_91 : i1 to i32
      %sign3A_93 = arith.subi %sign3A_89, %sign3A_92 : i32
      %sign3A_94 = arith.constant 0 : i32
      %sign3A_95 = arith.cmpi sgt, %jit3A_87, %sign3A_94 : i32
      %sign3A_96 = arith.extui %sign3A_95 : i1 to i32
      %sign3A_97 = arith.constant 0 : i32
      %sign3A_98 = arith.cmpi slt, %jit3A_87, %sign3A_97 : i32
      %sign3A_99 = arith.extui %sign3A_98 : i1 to i32
      %sign3A_100 = arith.subi %sign3A_96, %sign3A_99 : i32
      %ne3A = arith.cmpi ne, %sign3A_93, %sign3A_100 : i32
      %rem3A = arith.remsi %sub3A_86, %jit3A_87 : i32
      %ne3A_101 = arith.constant 0 : i32
      %ne3A_102 = arith.cmpi ne, %rem3A, %ne3A_101 : i32
      %and3A = arith.andi %ne3A, %ne3A_102 : i1
      %sub3A_103 = arith.constant 1 : i32
      %sub3A_104 = arith.subi %div3A, %sub3A_103 : i32
      %select_n3A_105 = arith.select %and3A, %sub3A_104, %div3A : i32
      %parallel_loop3A_106 = arith.constant 0 : i32
      %parallel_loop3A_107 = arith.constant 1 : i32
      scf.for %parallel_loop3A_333 = %parallel_loop3A_106 to %select_n3A_105 step %parallel_loop3A_107  : i32 {
        %parallel_loop3A_334 = arith.constant 16 : i32
        %parallel_loop3A_335 = arith.muli %parallel_loop3A_333, %parallel_loop3A_334 : i32
        %parallel_loop3A_336 = arith.index_cast %parallel_loop3A_335 : i32 to index
        %parallel_loop3A_337 = tpu.vector_load %arg6[%parallel_loop3A_336] {strides = array<i32>} : memref<8208xi32, #tpu.memory_space<vmem>>, vector<16xi32>,
        %parallel_loop3A_338 = arith.subi %parallel_loop3A_82, %parallel_loop3A_335 : i32
        %parallel_loop3A_339 = vector.broadcast %parallel_loop3A_338 : i32 to vector<16xi32>
        %parallel_loop3A_340 = arith.cmpi slt, %iota3A, %parallel_loop3A_339 : vector<16xi32>
        %parallel_loop3A_341 = arith.constant 20 : i32
        %parallel_loop3A_342 = vector.broadcast %parallel_loop3A_341 : i32 to vector<16xi32>
        %parallel_loop3A_343 = arith.shrsi %parallel_loop3A_337, %parallel_loop3A_342 : vector<16xi32>
        %parallel_loop3A_344 = vector.broadcast %sub3A_75 : i32 to vector<16xi32>
        %parallel_loop3A_345 = arith.cmpi eq, %parallel_loop3A_343, %parallel_loop3A_344 : vector<16xi32>
        %parallel_loop3A_346 = arith.andi %parallel_loop3A_340, %parallel_loop3A_345 : vector<16xi1>
        %parallel_loop3A_347 = arith.constant 12 : i32
        %parallel_loop3A_348 = vector.broadcast %parallel_loop3A_347 : i32 to vector<16xi32>
        %parallel_loop3A_349 = arith.shrsi %parallel_loop3A_337, %parallel_loop3A_348 : vector<16xi32>
        %parallel_loop3A_350 = arith.constant 255 : i32
        %parallel_loop3A_351 = vector.broadcast %parallel_loop3A_350 : i32 to vector<16xi32>
        %parallel_loop3A_352 = arith.andi %parallel_loop3A_349, %parallel_loop3A_351 : vector<16xi32>
        tpu.vector_store_idx %arg5[%parallel_loop3A_352], %broadcast_in_dim3A_4 masked %parallel_loop3A_346 {add = true} : memref<4096xi32, #tpu.memory_space<vmem>>[vector<16xi32>], vector<16xi32>, vector<16xi1>
      } {sc.loop_unroll_factor = 1 : i64, sc.parallel_access}
      %scan3A_108 = arith.constant 0 : i32
      %scan3A_109 = arith.constant 0 : i32
      %scan3A_110 = arith.constant 0 : i32
      %scan3A_111 = arith.constant 0 : i32
      %scan3A_112 = arith.constant 0 : i32
      %scan3A_113 = arith.constant 4 : i32
      %scan3A_114 = arith.addi %scan3A_112, %scan3A_113 : i32
      %scan3A_115 = arith.constant 1 : i32
      %scan3A_116:5 = scf.for %scan3A_333 = %scan3A_112 to %scan3A_114 step %scan3A_115 iter_args(%scan3A_334 = %scan3A_108, %scan3A_335 = %scan3A_109, %scan3A_336 = %broadcast_in_dim3A_0, %scan3A_337 = %scan3A_110, %scan3A_338 = %scan3A_111) -> (i32, i32, vector<16xi32>, i32, i32)  : i32 {
        %mul3A_339 = arith.constant 4 : i32
        %mul3A_340 = arith.muli %scan3A_333, %mul3A_339 : i32
        %add3A_341 = arith.constant 0 : i32
        %add3A_342 = arith.addi %mul3A_340, %add3A_341 : i32
        %sub3A_343 = arith.constant 15 : i32
        %sub3A_344 = arith.subi %sub3A_343, %add3A_342 : i32
        %mul3A_345 = arith.constant 16 : i32
        %mul3A_346 = arith.muli %sub3A_344, %mul3A_345 : i32
        %get3A_347 = arith.index_cast %mul3A_346 : i32 to index
        %get3A_348 = tpu.vector_load %arg5[%get3A_347] {strides = array<i32>} : memref<4096xi32, #tpu.memory_space<vmem>>, vector<16xi32>,
        %swap3A_349 = arith.index_cast %mul3A_346 : i32 to index
        %swap3A_350 = tpu.vector_load %arg5[%swap3A_349] {strides = array<i32>} : memref<4096xi32, #tpu.memory_space<vmem>>, vector<16xi32>,
        tpu.vector_store %arg5[%swap3A_349], %broadcast_in_dim3A_0 {strides = array<i32>} : memref<4096xi32, #tpu.memory_space<vmem>>, vector<16xi32>,
        %reduce_sum3A_351 = arith.constant true
        %reduce_sum3A_352 = vector.broadcast %reduce_sum3A_351 : i1 to vector<16xi1>
        %reduce_sum3A_353 = tpu.scan <sum>, %get3A_348 masked %reduce_sum3A_352 : vector<16xi32>, vector<16xi1> -> vector<16xi32>
        %reduce_sum3A_354 = vector.extract %reduce_sum3A_353[15] : i32 from vector<16xi32>
        %eq3A_355 = arith.constant 0 : i32
        %eq3A_356 = arith.cmpi eq, %scan3A_335, %eq3A_355 : i32
        %add3A_357 = arith.addi %scan3A_334, %reduce_sum3A_354 : i32
        %ge3A_358 = arith.cmpi sge, %add3A_357, %sub3A_77 : i32
        %and3A_359 = arith.andi %eq3A_356, %ge3A_358 : i1
        %select_n3A_360 = arith.select %and3A_359, %get3A_348, %scan3A_336 : vector<16xi32>
        %select_n3A_361 = arith.select %and3A_359, %mul3A_346, %scan3A_337 : i32
        %select_n3A_362 = arith.select %and3A_359, %scan3A_334, %scan3A_338 : i32
        %jit3A_363 = arith.constant 1 : i32
        %select_n3A_364 = arith.select %and3A_359, %jit3A_363, %scan3A_335 : i32
        %add3A_365 = arith.addi %scan3A_334, %reduce_sum3A_354 : i32
        %mul3A_366 = arith.constant 4 : i32
        %mul3A_367 = arith.muli %scan3A_333, %mul3A_366 : i32
        %add3A_368 = arith.constant 1 : i32
        %add3A_369 = arith.addi %mul3A_367, %add3A_368 : i32
        %sub3A_370 = arith.constant 15 : i32
        %sub3A_371 = arith.subi %sub3A_370, %add3A_369 : i32
        %mul3A_372 = arith.constant 16 : i32
        %mul3A_373 = arith.muli %sub3A_371, %mul3A_372 : i32
        %get3A_374 = arith.index_cast %mul3A_373 : i32 to index
        %get3A_375 = tpu.vector_load %arg5[%get3A_374] {strides = array<i32>} : memref<4096xi32, #tpu.memory_space<vmem>>, vector<16xi32>,
        %swap3A_376 = arith.index_cast %mul3A_373 : i32 to index
        %swap3A_377 = tpu.vector_load %arg5[%swap3A_376] {strides = array<i32>} : memref<4096xi32, #tpu.memory_space<vmem>>, vector<16xi32>,
        tpu.vector_store %arg5[%swap3A_376], %broadcast_in_dim3A_0 {strides = array<i32>} : memref<4096xi32, #tpu.memory_space<vmem>>, vector<16xi32>,
        %reduce_sum3A_378 = arith.constant true
        %reduce_sum3A_379 = vector.broadcast %reduce_sum3A_378 : i1 to vector<16xi1>
        %reduce_sum3A_380 = tpu.scan <sum>, %get3A_375 masked %reduce_sum3A_379 : vector<16xi32>, vector<16xi1> -> vector<16xi32>
        %reduce_sum3A_381 = vector.extract %reduce_sum3A_380[15] : i32 from vector<16xi32>
        %eq3A_382 = arith.constant 0 : i32
        %eq3A_383 = arith.cmpi eq, %select_n3A_364, %eq3A_382 : i32
        %add3A_384 = arith.addi %add3A_365, %reduce_sum3A_381 : i32
        %ge3A_385 = arith.cmpi sge, %add3A_384, %sub3A_77 : i32
        %and3A_386 = arith.andi %eq3A_383, %ge3A_385 : i1
        %select_n3A_387 = arith.select %and3A_386, %get3A_375, %select_n3A_360 : vector<16xi32>
        %select_n3A_388 = arith.select %and3A_386, %mul3A_373, %select_n3A_361 : i32
        %select_n3A_389 = arith.select %and3A_386, %add3A_365, %select_n3A_362 : i32
        %jit3A_390 = arith.constant 1 : i32
        %select_n3A_391 = arith.select %and3A_386, %jit3A_390, %select_n3A_364 : i32
        %add3A_392 = arith.addi %add3A_365, %reduce_sum3A_381 : i32
        %mul3A_393 = arith.constant 4 : i32
        %mul3A_394 = arith.muli %scan3A_333, %mul3A_393 : i32
        %add3A_395 = arith.constant 2 : i32
        %add3A_396 = arith.addi %mul3A_394, %add3A_395 : i32
        %sub3A_397 = arith.constant 15 : i32
        %sub3A_398 = arith.subi %sub3A_397, %add3A_396 : i32
        %mul3A_399 = arith.constant 16 : i32
        %mul3A_400 = arith.muli %sub3A_398, %mul3A_399 : i32
        %get3A_401 = arith.index_cast %mul3A_400 : i32 to index
        %get3A_402 = tpu.vector_load %arg5[%get3A_401] {strides = array<i32>} : memref<4096xi32, #tpu.memory_space<vmem>>, vector<16xi32>,
        %swap3A_403 = arith.index_cast %mul3A_400 : i32 to index
        %swap3A_404 = tpu.vector_load %arg5[%swap3A_403] {strides = array<i32>} : memref<4096xi32, #tpu.memory_space<vmem>>, vector<16xi32>,
        tpu.vector_store %arg5[%swap3A_403], %broadcast_in_dim3A_0 {strides = array<i32>} : memref<4096xi32, #tpu.memory_space<vmem>>, vector<16xi32>,
        %reduce_sum3A_405 = arith.constant true
        %reduce_sum3A_406 = vector.broadcast %reduce_sum3A_405 : i1 to vector<16xi1>
        %reduce_sum3A_407 = tpu.scan <sum>, %get3A_402 masked %reduce_sum3A_406 : vector<16xi32>, vector<16xi1> -> vector<16xi32>
        %reduce_sum3A_408 = vector.extract %reduce_sum3A_407[15] : i32 from vector<16xi32>
        %eq3A_409 = arith.constant 0 : i32
        %eq3A_410 = arith.cmpi eq, %select_n3A_391, %eq3A_409 : i32
        %add3A_411 = arith.addi %add3A_392, %reduce_sum3A_408 : i32
        %ge3A_412 = arith.cmpi sge, %add3A_411, %sub3A_77 : i32
        %and3A_413 = arith.andi %eq3A_410, %ge3A_412 : i1
        %select_n3A_414 = arith.select %and3A_413, %get3A_402, %select_n3A_387 : vector<16xi32>
        %select_n3A_415 = arith.select %and3A_413, %mul3A_400, %select_n3A_388 : i32
        %select_n3A_416 = arith.select %and3A_413, %add3A_392, %select_n3A_389 : i32
        %jit3A_417 = arith.constant 1 : i32
        %select_n3A_418 = arith.select %and3A_413, %jit3A_417, %select_n3A_391 : i32
        %add3A_419 = arith.addi %add3A_392, %reduce_sum3A_408 : i32
        %mul3A_420 = arith.constant 4 : i32
        %mul3A_421 = arith.muli %scan3A_333, %mul3A_420 : i32
        %add3A_422 = arith.constant 3 : i32
        %add3A_423 = arith.addi %mul3A_421, %add3A_422 : i32
        %sub3A_424 = arith.constant 15 : i32
        %sub3A_425 = arith.subi %sub3A_424, %add3A_423 : i32
        %mul3A_426 = arith.constant 16 : i32
        %mul3A_427 = arith.muli %sub3A_425, %mul3A_426 : i32
        %get3A_428 = arith.index_cast %mul3A_427 : i32 to index
        %get3A_429 = tpu.vector_load %arg5[%get3A_428] {strides = array<i32>} : memref<4096xi32, #tpu.memory_space<vmem>>, vector<16xi32>,
        %swap3A_430 = arith.index_cast %mul3A_427 : i32 to index
        %swap3A_431 = tpu.vector_load %arg5[%swap3A_430] {strides = array<i32>} : memref<4096xi32, #tpu.memory_space<vmem>>, vector<16xi32>,
        tpu.vector_store %arg5[%swap3A_430], %broadcast_in_dim3A_0 {strides = array<i32>} : memref<4096xi32, #tpu.memory_space<vmem>>, vector<16xi32>,
        %reduce_sum3A_432 = arith.constant true
        %reduce_sum3A_433 = vector.broadcast %reduce_sum3A_432 : i1 to vector<16xi1>
        %reduce_sum3A_434 = tpu.scan <sum>, %get3A_429 masked %reduce_sum3A_433 : vector<16xi32>, vector<16xi1> -> vector<16xi32>
        %reduce_sum3A_435 = vector.extract %reduce_sum3A_434[15] : i32 from vector<16xi32>
        %eq3A_436 = arith.constant 0 : i32
        %eq3A_437 = arith.cmpi eq, %select_n3A_418, %eq3A_436 : i32
        %add3A_438 = arith.addi %add3A_419, %reduce_sum3A_435 : i32
        %ge3A_439 = arith.cmpi sge, %add3A_438, %sub3A_77 : i32
        %and3A_440 = arith.andi %eq3A_437, %ge3A_439 : i1
        %select_n3A_441 = arith.select %and3A_440, %get3A_429, %select_n3A_414 : vector<16xi32>
        %select_n3A_442 = arith.select %and3A_440, %mul3A_427, %select_n3A_415 : i32
        %select_n3A_443 = arith.select %and3A_440, %add3A_419, %select_n3A_416 : i32
        %jit3A_444 = arith.constant 1 : i32
        %select_n3A_445 = arith.select %and3A_440, %jit3A_444, %select_n3A_418 : i32
        %add3A_446 = arith.addi %add3A_419, %reduce_sum3A_435 : i32
        scf.yield %add3A_446, %select_n3A_445, %select_n3A_441, %select_n3A_442, %select_n3A_443 : i32, i32, vector<16xi32>, i32, i32
      }
      %scan3A_117 = arith.constant 4 : i32
      %rev3A_118 = arith.constant 15 : i32
      %rev3A_119 = vector.broadcast %rev3A_118 : i32 to vector<16xi32>
      %rev3A_120 = tpu.iota {dimensions = array<i32: 0>} : vector<16xi32>
      %rev3A_121 = arith.subi %rev3A_119, %rev3A_120 : vector<16xi32>
      %rev3A_122 = tpu.dynamic_gather %scan3A_116#2[%rev3A_121] in [0] : vector<16xi32>, vector<16xi32> -> vector<16xi32>
      %broadcast_in_dim3A_123 = arith.constant true
      %broadcast_in_dim3A_124 = vector.broadcast %broadcast_in_dim3A_123 : i1 to vector<16xi1>
      %masked_cumsum3A_125 = tpu.scan <sum>, %rev3A_122 masked %broadcast_in_dim3A_124 : vector<16xi32>, vector<16xi1> -> vector<16xi32>
      %add3A_126 = vector.broadcast %scan3A_116#4 : i32 to vector<16xi32>
      %add3A_127 = arith.addi %add3A_126, %masked_cumsum3A_125 : vector<16xi32>
      %ge3A_128 = vector.broadcast %sub3A_77 : i32 to vector<16xi32>
      %ge3A_129 = arith.cmpi sge, %add3A_127, %ge3A_128 : vector<16xi32>
      %sub3A_130 = arith.subi %add3A_127, %rev3A_122 : vector<16xi32>
      %ge3A_131 = vector.broadcast %sub3A_77 : i32 to vector<16xi32>
      %ge3A_132 = arith.cmpi sge, %sub3A_130, %ge3A_131 : vector<16xi32>
      %all_reduce_population_count3A_133 = tpu.all_reduce %ge3A_129 {dim = 0 : i64, kind = #tpu.reduction_kind<sum>} : vector<16xi1> -> vector<16xi32>
      %reduce_max3A_134 = arith.constant true
      %reduce_max3A_135 = vector.broadcast %reduce_max3A_134 : i1 to vector<16xi1>
      %reduce_max3A_136 = arith.constant -2147483648 : i32
      %reduce_max3A_137 = vector.broadcast %reduce_max3A_136 : i32 to vector<16xi32>
      %reduce_max3A_138 = arith.xori %all_reduce_population_count3A_133, %reduce_max3A_137 : vector<16xi32>
      %reduce_max3A_139 = tpu.scan <max>, %reduce_max3A_138 masked %reduce_max3A_135 : vector<16xi32>, vector<16xi1> -> vector<16xi32>
      %reduce_max3A_140 = arith.xori %reduce_max3A_139, %reduce_max3A_137 : vector<16xi32>
      %reduce_max3A_141 = vector.extract %reduce_max3A_140[15] : i32 from vector<16xi32>
      %add3A_142 = arith.addi %scan3A_116#3, %reduce_max3A_141 : i32
      %sub3A_143 = arith.constant 1 : i32
      %sub3A_144 = arith.subi %add3A_142, %sub3A_143 : i32
      %jit3A_145 = arith.constant 0 : i32
      %broadcast_in_dim3A_146 = vector.broadcast %jit3A_145 : i32 to vector<16xi32>
      %select_n3A_147 = arith.select %ge3A_129, %broadcast_in_dim3A_146, %rev3A_122 : vector<16xi1>, vector<16xi32>
      %reduce_sum3A_148 = arith.constant true
      %reduce_sum3A_149 = vector.broadcast %reduce_sum3A_148 : i1 to vector<16xi1>
      %reduce_sum3A_150 = tpu.scan <sum>, %select_n3A_147 masked %reduce_sum3A_149 : vector<16xi32>, vector<16xi1> -> vector<16xi32>
      %reduce_sum3A_151 = vector.extract %reduce_sum3A_150[15] : i32 from vector<16xi32>
      %add3A_152 = arith.addi %scan3A_116#4, %reduce_sum3A_151 : i32
      %jit3A_153 = arith.constant 0 : i32
      %broadcast_in_dim3A_154 = vector.broadcast %jit3A_153 : i32 to vector<16xi32>
      %select_n3A_155 = arith.select %ge3A_129, %rev3A_122, %broadcast_in_dim3A_154 : vector<16xi1>, vector<16xi32>
      %reduce_sum3A_156 = arith.constant true
      %reduce_sum3A_157 = vector.broadcast %reduce_sum3A_156 : i1 to vector<16xi1>
      %reduce_sum3A_158 = tpu.scan <sum>, %select_n3A_155 masked %reduce_sum3A_157 : vector<16xi32>, vector<16xi1> -> vector<16xi32>
      %reduce_sum3A_159 = vector.extract %reduce_sum3A_158[15] : i32 from vector<16xi32>
      %jit3A_160 = arith.constant 0 : i32
      %broadcast_in_dim3A_161 = vector.broadcast %jit3A_160 : i32 to vector<16xi32>
      %select_n3A_162 = arith.select %ge3A_132, %rev3A_122, %broadcast_in_dim3A_161 : vector<16xi1>, vector<16xi32>
      %reduce_sum3A_163 = arith.constant true
      %reduce_sum3A_164 = vector.broadcast %reduce_sum3A_163 : i1 to vector<16xi1>
      %reduce_sum3A_165 = tpu.scan <sum>, %select_n3A_162 masked %reduce_sum3A_164 : vector<16xi32>, vector<16xi1> -> vector<16xi32>
      %reduce_sum3A_166 = vector.extract %reduce_sum3A_165[15] : i32 from vector<16xi32>
      %sub3A_167 = arith.subi %reduce_sum3A_159, %reduce_sum3A_166 : i32
      %shift_left3A = arith.constant 8 : i32
      %shift_left3A_168 = arith.shli %sub3A_75, %shift_left3A : i32
      %or3A = arith.ori %shift_left3A_168, %sub3A_144 : i32
      %sub3A_169 = arith.subi %sub3A_77, %add3A_152 : i32
      %parallel_loop3A_170 = arith.constant 0 : i32
      %parallel_loop3A_171 = arith.constant 1 : i32
      scf.for %parallel_loop3A_333 = %parallel_loop3A_170 to %select_n3A_105 step %parallel_loop3A_171  : i32 {
        %parallel_loop3A_334 = arith.constant 16 : i32
        %parallel_loop3A_335 = arith.muli %parallel_loop3A_333, %parallel_loop3A_334 : i32
        %parallel_loop3A_336 = arith.index_cast %parallel_loop3A_335 : i32 to index
        %parallel_loop3A_337 = tpu.vector_load %arg6[%parallel_loop3A_336] {strides = array<i32>} : memref<8208xi32, #tpu.memory_space<vmem>>, vector<16xi32>,
        %parallel_loop3A_338 = arith.subi %parallel_loop3A_82, %parallel_loop3A_335 : i32
        %parallel_loop3A_339 = vector.broadcast %parallel_loop3A_338 : i32 to vector<16xi32>
        %parallel_loop3A_340 = arith.cmpi slt, %iota3A, %parallel_loop3A_339 : vector<16xi32>
        %parallel_loop3A_341 = arith.constant 12 : i32
        %parallel_loop3A_342 = vector.broadcast %parallel_loop3A_341 : i32 to vector<16xi32>
        %parallel_loop3A_343 = arith.shrsi %parallel_loop3A_337, %parallel_loop3A_342 : vector<16xi32>
        %parallel_loop3A_344 = vector.broadcast %or3A : i32 to vector<16xi32>
        %parallel_loop3A_345 = arith.cmpi eq, %parallel_loop3A_343, %parallel_loop3A_344 : vector<16xi32>
        %parallel_loop3A_346 = arith.andi %parallel_loop3A_340, %parallel_loop3A_345 : vector<16xi1>
        %parallel_loop3A_347 = arith.constant 4 : i32
        %parallel_loop3A_348 = vector.broadcast %parallel_loop3A_347 : i32 to vector<16xi32>
        %parallel_loop3A_349 = arith.shrsi %parallel_loop3A_337, %parallel_loop3A_348 : vector<16xi32>
        %parallel_loop3A_350 = arith.constant 255 : i32
        %parallel_loop3A_351 = vector.broadcast %parallel_loop3A_350 : i32 to vector<16xi32>
        %parallel_loop3A_352 = arith.andi %parallel_loop3A_349, %parallel_loop3A_351 : vector<16xi32>
        tpu.vector_store_idx %arg5[%parallel_loop3A_352], %broadcast_in_dim3A_4 masked %parallel_loop3A_346 {add = true} : memref<4096xi32, #tpu.memory_space<vmem>>[vector<16xi32>], vector<16xi32>, vector<16xi1>
      } {sc.loop_unroll_factor = 1 : i64, sc.parallel_access}
      %scan3A_172 = arith.constant 0 : i32
      %scan3A_173 = arith.constant 0 : i32
      %scan3A_174 = arith.constant 0 : i32
      %scan3A_175 = arith.constant 0 : i32
      %scan3A_176 = arith.constant 0 : i32
      %scan3A_177 = arith.constant 4 : i32
      %scan3A_178 = arith.addi %scan3A_176, %scan3A_177 : i32
      %scan3A_179 = arith.constant 1 : i32
      %scan3A_180:5 = scf.for %scan3A_333 = %scan3A_176 to %scan3A_178 step %scan3A_179 iter_args(%scan3A_334 = %scan3A_172, %scan3A_335 = %scan3A_173, %scan3A_336 = %broadcast_in_dim3A_0, %scan3A_337 = %scan3A_174, %scan3A_338 = %scan3A_175) -> (i32, i32, vector<16xi32>, i32, i32)  : i32 {
        %mul3A_339 = arith.constant 4 : i32
        %mul3A_340 = arith.muli %scan3A_333, %mul3A_339 : i32
        %add3A_341 = arith.constant 0 : i32
        %add3A_342 = arith.addi %mul3A_340, %add3A_341 : i32
        %sub3A_343 = arith.constant 15 : i32
        %sub3A_344 = arith.subi %sub3A_343, %add3A_342 : i32
        %mul3A_345 = arith.constant 16 : i32
        %mul3A_346 = arith.muli %sub3A_344, %mul3A_345 : i32
        %get3A_347 = arith.index_cast %mul3A_346 : i32 to index
        %get3A_348 = tpu.vector_load %arg5[%get3A_347] {strides = array<i32>} : memref<4096xi32, #tpu.memory_space<vmem>>, vector<16xi32>,
        %swap3A_349 = arith.index_cast %mul3A_346 : i32 to index
        %swap3A_350 = tpu.vector_load %arg5[%swap3A_349] {strides = array<i32>} : memref<4096xi32, #tpu.memory_space<vmem>>, vector<16xi32>,
        tpu.vector_store %arg5[%swap3A_349], %broadcast_in_dim3A_0 {strides = array<i32>} : memref<4096xi32, #tpu.memory_space<vmem>>, vector<16xi32>,
        %reduce_sum3A_351 = arith.constant true
        %reduce_sum3A_352 = vector.broadcast %reduce_sum3A_351 : i1 to vector<16xi1>
        %reduce_sum3A_353 = tpu.scan <sum>, %get3A_348 masked %reduce_sum3A_352 : vector<16xi32>, vector<16xi1> -> vector<16xi32>
        %reduce_sum3A_354 = vector.extract %reduce_sum3A_353[15] : i32 from vector<16xi32>
        %eq3A_355 = arith.constant 0 : i32
        %eq3A_356 = arith.cmpi eq, %scan3A_335, %eq3A_355 : i32
        %add3A_357 = arith.addi %scan3A_334, %reduce_sum3A_354 : i32
        %ge3A_358 = arith.cmpi sge, %add3A_357, %sub3A_169 : i32
        %and3A_359 = arith.andi %eq3A_356, %ge3A_358 : i1
        %select_n3A_360 = arith.select %and3A_359, %get3A_348, %scan3A_336 : vector<16xi32>
        %select_n3A_361 = arith.select %and3A_359, %mul3A_346, %scan3A_337 : i32
        %select_n3A_362 = arith.select %and3A_359, %scan3A_334, %scan3A_338 : i32
        %jit3A_363 = arith.constant 1 : i32
        %select_n3A_364 = arith.select %and3A_359, %jit3A_363, %scan3A_335 : i32
        %add3A_365 = arith.addi %scan3A_334, %reduce_sum3A_354 : i32
        %mul3A_366 = arith.constant 4 : i32
        %mul3A_367 = arith.muli %scan3A_333, %mul3A_366 : i32
        %add3A_368 = arith.constant 1 : i32
        %add3A_369 = arith.addi %mul3A_367, %add3A_368 : i32
        %sub3A_370 = arith.constant 15 : i32
        %sub3A_371 = arith.subi %sub3A_370, %add3A_369 : i32
        %mul3A_372 = arith.constant 16 : i32
        %mul3A_373 = arith.muli %sub3A_371, %mul3A_372 : i32
        %get3A_374 = arith.index_cast %mul3A_373 : i32 to index
        %get3A_375 = tpu.vector_load %arg5[%get3A_374] {strides = array<i32>} : memref<4096xi32, #tpu.memory_space<vmem>>, vector<16xi32>,
        %swap3A_376 = arith.index_cast %mul3A_373 : i32 to index
        %swap3A_377 = tpu.vector_load %arg5[%swap3A_376] {strides = array<i32>} : memref<4096xi32, #tpu.memory_space<vmem>>, vector<16xi32>,
        tpu.vector_store %arg5[%swap3A_376], %broadcast_in_dim3A_0 {strides = array<i32>} : memref<4096xi32, #tpu.memory_space<vmem>>, vector<16xi32>,
        %reduce_sum3A_378 = arith.constant true
        %reduce_sum3A_379 = vector.broadcast %reduce_sum3A_378 : i1 to vector<16xi1>
        %reduce_sum3A_380 = tpu.scan <sum>, %get3A_375 masked %reduce_sum3A_379 : vector<16xi32>, vector<16xi1> -> vector<16xi32>
        %reduce_sum3A_381 = vector.extract %reduce_sum3A_380[15] : i32 from vector<16xi32>
        %eq3A_382 = arith.constant 0 : i32
        %eq3A_383 = arith.cmpi eq, %select_n3A_364, %eq3A_382 : i32
        %add3A_384 = arith.addi %add3A_365, %reduce_sum3A_381 : i32
        %ge3A_385 = arith.cmpi sge, %add3A_384, %sub3A_169 : i32
        %and3A_386 = arith.andi %eq3A_383, %ge3A_385 : i1
        %select_n3A_387 = arith.select %and3A_386, %get3A_375, %select_n3A_360 : vector<16xi32>
        %select_n3A_388 = arith.select %and3A_386, %mul3A_373, %select_n3A_361 : i32
        %select_n3A_389 = arith.select %and3A_386, %add3A_365, %select_n3A_362 : i32
        %jit3A_390 = arith.constant 1 : i32
        %select_n3A_391 = arith.select %and3A_386, %jit3A_390, %select_n3A_364 : i32
        %add3A_392 = arith.addi %add3A_365, %reduce_sum3A_381 : i32
        %mul3A_393 = arith.constant 4 : i32
        %mul3A_394 = arith.muli %scan3A_333, %mul3A_393 : i32
        %add3A_395 = arith.constant 2 : i32
        %add3A_396 = arith.addi %mul3A_394, %add3A_395 : i32
        %sub3A_397 = arith.constant 15 : i32
        %sub3A_398 = arith.subi %sub3A_397, %add3A_396 : i32
        %mul3A_399 = arith.constant 16 : i32
        %mul3A_400 = arith.muli %sub3A_398, %mul3A_399 : i32
        %get3A_401 = arith.index_cast %mul3A_400 : i32 to index
        %get3A_402 = tpu.vector_load %arg5[%get3A_401] {strides = array<i32>} : memref<4096xi32, #tpu.memory_space<vmem>>, vector<16xi32>,
        %swap3A_403 = arith.index_cast %mul3A_400 : i32 to index
        %swap3A_404 = tpu.vector_load %arg5[%swap3A_403] {strides = array<i32>} : memref<4096xi32, #tpu.memory_space<vmem>>, vector<16xi32>,
        tpu.vector_store %arg5[%swap3A_403], %broadcast_in_dim3A_0 {strides = array<i32>} : memref<4096xi32, #tpu.memory_space<vmem>>, vector<16xi32>,
        %reduce_sum3A_405 = arith.constant true
        %reduce_sum3A_406 = vector.broadcast %reduce_sum3A_405 : i1 to vector<16xi1>
        %reduce_sum3A_407 = tpu.scan <sum>, %get3A_402 masked %reduce_sum3A_406 : vector<16xi32>, vector<16xi1> -> vector<16xi32>
        %reduce_sum3A_408 = vector.extract %reduce_sum3A_407[15] : i32 from vector<16xi32>
        %eq3A_409 = arith.constant 0 : i32
        %eq3A_410 = arith.cmpi eq, %select_n3A_391, %eq3A_409 : i32
        %add3A_411 = arith.addi %add3A_392, %reduce_sum3A_408 : i32
        %ge3A_412 = arith.cmpi sge, %add3A_411, %sub3A_169 : i32
        %and3A_413 = arith.andi %eq3A_410, %ge3A_412 : i1
        %select_n3A_414 = arith.select %and3A_413, %get3A_402, %select_n3A_387 : vector<16xi32>
        %select_n3A_415 = arith.select %and3A_413, %mul3A_400, %select_n3A_388 : i32
        %select_n3A_416 = arith.select %and3A_413, %add3A_392, %select_n3A_389 : i32
        %jit3A_417 = arith.constant 1 : i32
        %select_n3A_418 = arith.select %and3A_413, %jit3A_417, %select_n3A_391 : i32
        %add3A_419 = arith.addi %add3A_392, %reduce_sum3A_408 : i32
        %mul3A_420 = arith.constant 4 : i32
        %mul3A_421 = arith.muli %scan3A_333, %mul3A_420 : i32
        %add3A_422 = arith.constant 3 : i32
        %add3A_423 = arith.addi %mul3A_421, %add3A_422 : i32
        %sub3A_424 = arith.constant 15 : i32
        %sub3A_425 = arith.subi %sub3A_424, %add3A_423 : i32
        %mul3A_426 = arith.constant 16 : i32
        %mul3A_427 = arith.muli %sub3A_425, %mul3A_426 : i32
        %get3A_428 = arith.index_cast %mul3A_427 : i32 to index
        %get3A_429 = tpu.vector_load %arg5[%get3A_428] {strides = array<i32>} : memref<4096xi32, #tpu.memory_space<vmem>>, vector<16xi32>,
        %swap3A_430 = arith.index_cast %mul3A_427 : i32 to index
        %swap3A_431 = tpu.vector_load %arg5[%swap3A_430] {strides = array<i32>} : memref<4096xi32, #tpu.memory_space<vmem>>, vector<16xi32>,
        tpu.vector_store %arg5[%swap3A_430], %broadcast_in_dim3A_0 {strides = array<i32>} : memref<4096xi32, #tpu.memory_space<vmem>>, vector<16xi32>,
        %reduce_sum3A_432 = arith.constant true
        %reduce_sum3A_433 = vector.broadcast %reduce_sum3A_432 : i1 to vector<16xi1>
        %reduce_sum3A_434 = tpu.scan <sum>, %get3A_429 masked %reduce_sum3A_433 : vector<16xi32>, vector<16xi1> -> vector<16xi32>
        %reduce_sum3A_435 = vector.extract %reduce_sum3A_434[15] : i32 from vector<16xi32>
        %eq3A_436 = arith.constant 0 : i32
        %eq3A_437 = arith.cmpi eq, %select_n3A_418, %eq3A_436 : i32
        %add3A_438 = arith.addi %add3A_419, %reduce_sum3A_435 : i32
        %ge3A_439 = arith.cmpi sge, %add3A_438, %sub3A_169 : i32
        %and3A_440 = arith.andi %eq3A_437, %ge3A_439 : i1
        %select_n3A_441 = arith.select %and3A_440, %get3A_429, %select_n3A_414 : vector<16xi32>
        %select_n3A_442 = arith.select %and3A_440, %mul3A_427, %select_n3A_415 : i32
        %select_n3A_443 = arith.select %and3A_440, %add3A_419, %select_n3A_416 : i32
        %jit3A_444 = arith.constant 1 : i32
        %select_n3A_445 = arith.select %and3A_440, %jit3A_444, %select_n3A_418 : i32
        %add3A_446 = arith.addi %add3A_419, %reduce_sum3A_435 : i32
        scf.yield %add3A_446, %select_n3A_445, %select_n3A_441, %select_n3A_442, %select_n3A_443 : i32, i32, vector<16xi32>, i32, i32
      }
      %scan3A_181 = arith.constant 4 : i32
      %rev3A_182 = arith.constant 15 : i32
      %rev3A_183 = vector.broadcast %rev3A_182 : i32 to vector<16xi32>
      %rev3A_184 = tpu.iota {dimensions = array<i32: 0>} : vector<16xi32>
      %rev3A_185 = arith.subi %rev3A_183, %rev3A_184 : vector<16xi32>
      %rev3A_186 = tpu.dynamic_gather %scan3A_180#2[%rev3A_185] in [0] : vector<16xi32>, vector<16xi32> -> vector<16xi32>
      %broadcast_in_dim3A_187 = arith.constant true
      %broadcast_in_dim3A_188 = vector.broadcast %broadcast_in_dim3A_187 : i1 to vector<16xi1>
      %masked_cumsum3A_189 = tpu.scan <sum>, %rev3A_186 masked %broadcast_in_dim3A_188 : vector<16xi32>, vector<16xi1> -> vector<16xi32>
      %add3A_190 = vector.broadcast %scan3A_180#4 : i32 to vector<16xi32>
      %add3A_191 = arith.addi %add3A_190, %masked_cumsum3A_189 : vector<16xi32>
      %ge3A_192 = vector.broadcast %sub3A_169 : i32 to vector<16xi32>
      %ge3A_193 = arith.cmpi sge, %add3A_191, %ge3A_192 : vector<16xi32>
      %sub3A_194 = arith.subi %add3A_191, %rev3A_186 : vector<16xi32>
      %ge3A_195 = vector.broadcast %sub3A_169 : i32 to vector<16xi32>
      %ge3A_196 = arith.cmpi sge, %sub3A_194, %ge3A_195 : vector<16xi32>
      %all_reduce_population_count3A_197 = tpu.all_reduce %ge3A_193 {dim = 0 : i64, kind = #tpu.reduction_kind<sum>} : vector<16xi1> -> vector<16xi32>
      %reduce_max3A_198 = arith.constant true
      %reduce_max3A_199 = vector.broadcast %reduce_max3A_198 : i1 to vector<16xi1>
      %reduce_max3A_200 = arith.constant -2147483648 : i32
      %reduce_max3A_201 = vector.broadcast %reduce_max3A_200 : i32 to vector<16xi32>
      %reduce_max3A_202 = arith.xori %all_reduce_population_count3A_197, %reduce_max3A_201 : vector<16xi32>
      %reduce_max3A_203 = tpu.scan <max>, %reduce_max3A_202 masked %reduce_max3A_199 : vector<16xi32>, vector<16xi1> -> vector<16xi32>
      %reduce_max3A_204 = arith.xori %reduce_max3A_203, %reduce_max3A_201 : vector<16xi32>
      %reduce_max3A_205 = vector.extract %reduce_max3A_204[15] : i32 from vector<16xi32>
      %add3A_206 = arith.addi %scan3A_180#3, %reduce_max3A_205 : i32
      %sub3A_207 = arith.constant 1 : i32
      %sub3A_208 = arith.subi %add3A_206, %sub3A_207 : i32
      %jit3A_209 = arith.constant 0 : i32
      %broadcast_in_dim3A_210 = vector.broadcast %jit3A_209 : i32 to vector<16xi32>
      %select_n3A_211 = arith.select %ge3A_193, %broadcast_in_dim3A_210, %rev3A_186 : vector<16xi1>, vector<16xi32>
      %reduce_sum3A_212 = arith.constant true
      %reduce_sum3A_213 = vector.broadcast %reduce_sum3A_212 : i1 to vector<16xi1>
      %reduce_sum3A_214 = tpu.scan <sum>, %select_n3A_211 masked %reduce_sum3A_213 : vector<16xi32>, vector<16xi1> -> vector<16xi32>
      %reduce_sum3A_215 = vector.extract %reduce_sum3A_214[15] : i32 from vector<16xi32>
      %add3A_216 = arith.addi %scan3A_180#4, %reduce_sum3A_215 : i32
      %jit3A_217 = arith.constant 0 : i32
      %broadcast_in_dim3A_218 = vector.broadcast %jit3A_217 : i32 to vector<16xi32>
      %select_n3A_219 = arith.select %ge3A_193, %rev3A_186, %broadcast_in_dim3A_218 : vector<16xi1>, vector<16xi32>
      %reduce_sum3A_220 = arith.constant true
      %reduce_sum3A_221 = vector.broadcast %reduce_sum3A_220 : i1 to vector<16xi1>
      %reduce_sum3A_222 = tpu.scan <sum>, %select_n3A_219 masked %reduce_sum3A_221 : vector<16xi32>, vector<16xi1> -> vector<16xi32>
      %reduce_sum3A_223 = vector.extract %reduce_sum3A_222[15] : i32 from vector<16xi32>
      %jit3A_224 = arith.constant 0 : i32
      %broadcast_in_dim3A_225 = vector.broadcast %jit3A_224 : i32 to vector<16xi32>
      %select_n3A_226 = arith.select %ge3A_196, %rev3A_186, %broadcast_in_dim3A_225 : vector<16xi1>, vector<16xi32>
      %reduce_sum3A_227 = arith.constant true
      %reduce_sum3A_228 = vector.broadcast %reduce_sum3A_227 : i1 to vector<16xi1>
      %reduce_sum3A_229 = tpu.scan <sum>, %select_n3A_226 masked %reduce_sum3A_228 : vector<16xi32>, vector<16xi1> -> vector<16xi32>
      %reduce_sum3A_230 = vector.extract %reduce_sum3A_229[15] : i32 from vector<16xi32>
      %sub3A_231 = arith.subi %reduce_sum3A_223, %reduce_sum3A_230 : i32
      %shift_left3A_232 = arith.constant 8 : i32
      %shift_left3A_233 = arith.shli %or3A, %shift_left3A_232 : i32
      %or3A_234 = arith.ori %shift_left3A_233, %sub3A_208 : i32
      %sub3A_235 = arith.subi %sub3A_169, %add3A_216 : i32
      %parallel_loop3A_236 = arith.constant 0 : i32
      %parallel_loop3A_237 = arith.constant 1 : i32
      scf.for %parallel_loop3A_333 = %parallel_loop3A_236 to %select_n3A_105 step %parallel_loop3A_237  : i32 {
        %parallel_loop3A_334 = arith.constant 16 : i32
        %parallel_loop3A_335 = arith.muli %parallel_loop3A_333, %parallel_loop3A_334 : i32
        %parallel_loop3A_336 = arith.index_cast %parallel_loop3A_335 : i32 to index
        %parallel_loop3A_337 = tpu.vector_load %arg6[%parallel_loop3A_336] {strides = array<i32>} : memref<8208xi32, #tpu.memory_space<vmem>>, vector<16xi32>,
        %parallel_loop3A_338 = arith.subi %parallel_loop3A_82, %parallel_loop3A_335 : i32
        %parallel_loop3A_339 = vector.broadcast %parallel_loop3A_338 : i32 to vector<16xi32>
        %parallel_loop3A_340 = arith.cmpi slt, %iota3A, %parallel_loop3A_339 : vector<16xi32>
        %parallel_loop3A_341 = arith.constant 4 : i32
        %parallel_loop3A_342 = vector.broadcast %parallel_loop3A_341 : i32 to vector<16xi32>
        %parallel_loop3A_343 = arith.shrsi %parallel_loop3A_337, %parallel_loop3A_342 : vector<16xi32>
        %parallel_loop3A_344 = vector.broadcast %or3A_234 : i32 to vector<16xi32>
        %parallel_loop3A_345 = arith.cmpi eq, %parallel_loop3A_343, %parallel_loop3A_344 : vector<16xi32>
        %parallel_loop3A_346 = arith.andi %parallel_loop3A_340, %parallel_loop3A_345 : vector<16xi1>
        %parallel_loop3A_347 = arith.constant 0 : i32
        %parallel_loop3A_348 = vector.broadcast %parallel_loop3A_347 : i32 to vector<16xi32>
        %parallel_loop3A_349 = arith.shrsi %parallel_loop3A_337, %parallel_loop3A_348 : vector<16xi32>
        %parallel_loop3A_350 = arith.constant 15 : i32
        %parallel_loop3A_351 = vector.broadcast %parallel_loop3A_350 : i32 to vector<16xi32>
        %parallel_loop3A_352 = arith.andi %parallel_loop3A_349, %parallel_loop3A_351 : vector<16xi32>
        tpu.vector_store_idx %arg5[%parallel_loop3A_352], %broadcast_in_dim3A_4 masked %parallel_loop3A_346 {add = true} : memref<4096xi32, #tpu.memory_space<vmem>>[vector<16xi32>], vector<16xi32>, vector<16xi1>
      } {sc.loop_unroll_factor = 1 : i64, sc.parallel_access}
      %scan3A_238 = arith.constant 0 : i32
      %scan3A_239 = arith.constant 0 : i32
      %scan3A_240 = arith.constant 0 : i32
      %scan3A_241 = arith.constant 0 : i32
      %scan3A_242 = arith.constant 0 : i32
      %mul3A_243 = arith.constant 1 : i32
      %mul3A_244 = arith.muli %scan3A_242, %mul3A_243 : i32
      %add3A_245 = arith.constant 0 : i32
      %add3A_246 = arith.addi %mul3A_244, %add3A_245 : i32
      %sub3A_247 = arith.constant 0 : i32
      %sub3A_248 = arith.subi %sub3A_247, %add3A_246 : i32
      %mul3A_249 = arith.constant 16 : i32
      %mul3A_250 = arith.muli %sub3A_248, %mul3A_249 : i32
      %get3A = arith.index_cast %mul3A_250 : i32 to index
      %get3A_251 = tpu.vector_load %arg5[%get3A] {strides = array<i32>} : memref<4096xi32, #tpu.memory_space<vmem>>, vector<16xi32>,
      %swap3A = arith.index_cast %mul3A_250 : i32 to index
      %swap3A_252 = tpu.vector_load %arg5[%swap3A] {strides = array<i32>} : memref<4096xi32, #tpu.memory_space<vmem>>, vector<16xi32>,
      tpu.vector_store %arg5[%swap3A], %broadcast_in_dim3A_0 {strides = array<i32>} : memref<4096xi32, #tpu.memory_space<vmem>>, vector<16xi32>,
      %reduce_sum3A_253 = arith.constant true
      %reduce_sum3A_254 = vector.broadcast %reduce_sum3A_253 : i1 to vector<16xi1>
      %reduce_sum3A_255 = tpu.scan <sum>, %get3A_251 masked %reduce_sum3A_254 : vector<16xi32>, vector<16xi1> -> vector<16xi32>
      %reduce_sum3A_256 = vector.extract %reduce_sum3A_255[15] : i32 from vector<16xi32>
      %eq3A = arith.constant 0 : i32
      %eq3A_257 = arith.cmpi eq, %scan3A_239, %eq3A : i32
      %add3A_258 = arith.addi %scan3A_238, %reduce_sum3A_256 : i32
      %ge3A_259 = arith.cmpi sge, %add3A_258, %sub3A_235 : i32
      %and3A_260 = arith.andi %eq3A_257, %ge3A_259 : i1
      %select_n3A_261 = arith.select %and3A_260, %get3A_251, %broadcast_in_dim3A_0 : vector<16xi32>
      %select_n3A_262 = arith.select %and3A_260, %mul3A_250, %scan3A_240 : i32
      %select_n3A_263 = arith.select %and3A_260, %scan3A_238, %scan3A_241 : i32
      %jit3A_264 = arith.constant 1 : i32
      %select_n3A_265 = arith.select %and3A_260, %jit3A_264, %scan3A_239 : i32
      %add3A_266 = arith.addi %scan3A_238, %reduce_sum3A_256 : i32
      %scan3A_267 = arith.constant 1 : i32
      %rev3A_268 = arith.constant 15 : i32
      %rev3A_269 = vector.broadcast %rev3A_268 : i32 to vector<16xi32>
      %rev3A_270 = tpu.iota {dimensions = array<i32: 0>} : vector<16xi32>
      %rev3A_271 = arith.subi %rev3A_269, %rev3A_270 : vector<16xi32>
      %rev3A_272 = tpu.dynamic_gather %select_n3A_261[%rev3A_271] in [0] : vector<16xi32>, vector<16xi32> -> vector<16xi32>
      %broadcast_in_dim3A_273 = arith.constant true
      %broadcast_in_dim3A_274 = vector.broadcast %broadcast_in_dim3A_273 : i1 to vector<16xi1>
      %masked_cumsum3A_275 = tpu.scan <sum>, %rev3A_272 masked %broadcast_in_dim3A_274 : vector<16xi32>, vector<16xi1> -> vector<16xi32>
      %add3A_276 = vector.broadcast %select_n3A_263 : i32 to vector<16xi32>
      %add3A_277 = arith.addi %add3A_276, %masked_cumsum3A_275 : vector<16xi32>
      %ge3A_278 = vector.broadcast %sub3A_235 : i32 to vector<16xi32>
      %ge3A_279 = arith.cmpi sge, %add3A_277, %ge3A_278 : vector<16xi32>
      %sub3A_280 = arith.subi %add3A_277, %rev3A_272 : vector<16xi32>
      %ge3A_281 = vector.broadcast %sub3A_235 : i32 to vector<16xi32>
      %ge3A_282 = arith.cmpi sge, %sub3A_280, %ge3A_281 : vector<16xi32>
      %all_reduce_population_count3A_283 = tpu.all_reduce %ge3A_279 {dim = 0 : i64, kind = #tpu.reduction_kind<sum>} : vector<16xi1> -> vector<16xi32>
      %reduce_max3A_284 = arith.constant true
      %reduce_max3A_285 = vector.broadcast %reduce_max3A_284 : i1 to vector<16xi1>
      %reduce_max3A_286 = arith.constant -2147483648 : i32
      %reduce_max3A_287 = vector.broadcast %reduce_max3A_286 : i32 to vector<16xi32>
      %reduce_max3A_288 = arith.xori %all_reduce_population_count3A_283, %reduce_max3A_287 : vector<16xi32>
      %reduce_max3A_289 = tpu.scan <max>, %reduce_max3A_288 masked %reduce_max3A_285 : vector<16xi32>, vector<16xi1> -> vector<16xi32>
      %reduce_max3A_290 = arith.xori %reduce_max3A_289, %reduce_max3A_287 : vector<16xi32>
      %reduce_max3A_291 = vector.extract %reduce_max3A_290[15] : i32 from vector<16xi32>
      %add3A_292 = arith.addi %select_n3A_262, %reduce_max3A_291 : i32
      %sub3A_293 = arith.constant 1 : i32
      %sub3A_294 = arith.subi %add3A_292, %sub3A_293 : i32
      %jit3A_295 = arith.constant 0 : i32
      %broadcast_in_dim3A_296 = vector.broadcast %jit3A_295 : i32 to vector<16xi32>
      %select_n3A_297 = arith.select %ge3A_279, %broadcast_in_dim3A_296, %rev3A_272 : vector<16xi1>, vector<16xi32>
      %reduce_sum3A_298 = arith.constant true
      %reduce_sum3A_299 = vector.broadcast %reduce_sum3A_298 : i1 to vector<16xi1>
      %reduce_sum3A_300 = tpu.scan <sum>, %select_n3A_297 masked %reduce_sum3A_299 : vector<16xi32>, vector<16xi1> -> vector<16xi32>
      %reduce_sum3A_301 = vector.extract %reduce_sum3A_300[15] : i32 from vector<16xi32>
      %add3A_302 = arith.addi %select_n3A_263, %reduce_sum3A_301 : i32
      %jit3A_303 = arith.constant 0 : i32
      %broadcast_in_dim3A_304 = vector.broadcast %jit3A_303 : i32 to vector<16xi32>
      %select_n3A_305 = arith.select %ge3A_279, %rev3A_272, %broadcast_in_dim3A_304 : vector<16xi1>, vector<16xi32>
      %reduce_sum3A_306 = arith.constant true
      %reduce_sum3A_307 = vector.broadcast %reduce_sum3A_306 : i1 to vector<16xi1>
      %reduce_sum3A_308 = tpu.scan <sum>, %select_n3A_305 masked %reduce_sum3A_307 : vector<16xi32>, vector<16xi1> -> vector<16xi32>
      %reduce_sum3A_309 = vector.extract %reduce_sum3A_308[15] : i32 from vector<16xi32>
      %jit3A_310 = arith.constant 0 : i32
      %broadcast_in_dim3A_311 = vector.broadcast %jit3A_310 : i32 to vector<16xi32>
      %select_n3A_312 = arith.select %ge3A_282, %rev3A_272, %broadcast_in_dim3A_311 : vector<16xi1>, vector<16xi32>
      %reduce_sum3A_313 = arith.constant true
      %reduce_sum3A_314 = vector.broadcast %reduce_sum3A_313 : i1 to vector<16xi1>
      %reduce_sum3A_315 = tpu.scan <sum>, %select_n3A_312 masked %reduce_sum3A_314 : vector<16xi32>, vector<16xi1> -> vector<16xi32>
      %reduce_sum3A_316 = vector.extract %reduce_sum3A_315[15] : i32 from vector<16xi32>
      %sub3A_317 = arith.subi %reduce_sum3A_309, %reduce_sum3A_316 : i32
      %shift_left3A_318 = arith.constant 4 : i32
      %shift_left3A_319 = arith.shli %or3A_234, %shift_left3A_318 : i32
      %or3A_320 = arith.ori %shift_left3A_319, %sub3A_294 : i32
      %sub3A_321 = arith.subi %sub3A_235, %add3A_302 : i32
      %parallel_loop3A_322 = arith.constant 0 : i32
      %parallel_loop3A_323 = arith.constant 1 : i32
      %parallel_loop3A_324 = arith.constant 0 : i32
      %parallel_loop3A_325 = arith.constant 0 : i32
      %parallel_loop3A_326:2 = scf.for %parallel_loop3A_333 = %parallel_loop3A_322 to %select_n3A_105 step %parallel_loop3A_323 iter_args(%parallel_loop3A_334 = %parallel_loop3A_324, %parallel_loop3A_335 = %parallel_loop3A_325) -> (i32, i32)  : i32 {
        %parallel_loop3A_336 = arith.constant 16 : i32
        %parallel_loop3A_337 = arith.muli %parallel_loop3A_333, %parallel_loop3A_336 : i32
        %parallel_loop3A_338 = arith.index_cast %parallel_loop3A_337 : i32 to index
        %parallel_loop3A_339 = tpu.vector_load %arg6[%parallel_loop3A_338] {strides = array<i32>} : memref<8208xi32, #tpu.memory_space<vmem>>, vector<16xi32>,
        %parallel_loop3A_340 = arith.index_cast %parallel_loop3A_337 : i32 to index
        %parallel_loop3A_341 = tpu.vector_load %arg7[%parallel_loop3A_340] {strides = array<i32>} : memref<8208xi32, #tpu.memory_space<vmem>>, vector<16xi32>,
        %parallel_loop3A_342 = arith.subi %parallel_loop3A_82, %parallel_loop3A_337 : i32
        %parallel_loop3A_343 = vector.broadcast %parallel_loop3A_342 : i32 to vector<16xi32>
        %parallel_loop3A_344 = arith.cmpi slt, %iota3A, %parallel_loop3A_343 : vector<16xi32>
        %parallel_loop3A_345 = vector.broadcast %or3A_320 : i32 to vector<16xi32>
        %parallel_loop3A_346 = arith.cmpi sgt, %parallel_loop3A_339, %parallel_loop3A_345 : vector<16xi32>
        %parallel_loop3A_347 = arith.andi %parallel_loop3A_344, %parallel_loop3A_346 : vector<16xi1>
        %parallel_loop3A_348 = vector.broadcast %or3A_320 : i32 to vector<16xi32>
        %parallel_loop3A_349 = arith.cmpi eq, %parallel_loop3A_339, %parallel_loop3A_348 : vector<16xi32>
        %parallel_loop3A_350 = arith.andi %parallel_loop3A_344, %parallel_loop3A_349 : vector<16xi1>
        %parallel_loop3A_351 = arith.constant 1 : i32
        %parallel_loop3A_352 = arith.constant 0 : i32
        %parallel_loop3A_353 = vector.broadcast %parallel_loop3A_351 : i32 to vector<16xi32>
        %parallel_loop3A_354 = vector.broadcast %parallel_loop3A_352 : i32 to vector<16xi32>
        %parallel_loop3A_355 = arith.select %parallel_loop3A_350, %parallel_loop3A_353, %parallel_loop3A_354 : vector<16xi1>, vector<16xi32>
        %parallel_loop3A_356 = arith.constant true
        %parallel_loop3A_357 = vector.broadcast %parallel_loop3A_356 : i1 to vector<16xi1>
        %parallel_loop3A_358 = tpu.scan <sum>, %parallel_loop3A_355 masked %parallel_loop3A_357 : vector<16xi32>, vector<16xi1> -> vector<16xi32>
        %parallel_loop3A_359 = vector.broadcast %parallel_loop3A_335 : i32 to vector<16xi32>
        %parallel_loop3A_360 = arith.addi %parallel_loop3A_359, %parallel_loop3A_358 : vector<16xi32>
        %parallel_loop3A_361 = vector.broadcast %sub3A_321 : i32 to vector<16xi32>
        %parallel_loop3A_362 = arith.cmpi sle, %parallel_loop3A_360, %parallel_loop3A_361 : vector<16xi32>
        %parallel_loop3A_363 = arith.andi %parallel_loop3A_350, %parallel_loop3A_362 : vector<16xi1>
        %parallel_loop3A_364 = arith.ori %parallel_loop3A_347, %parallel_loop3A_363 : vector<16xi1>
        %parallel_loop3A_365 = arith.index_cast %parallel_loop3A_334 : i32 to index
        %parallel_loop3A_366 = tpu.vector_load %arg9[%parallel_loop3A_365] masked %parallel_loop3A_364 {strides = array<i32>} : memref<272xi32, #tpu.memory_space<vmem>>, vector<16xi32>, vector<16xi1>
        tpu.vector_store %arg9[%parallel_loop3A_365], %parallel_loop3A_339 masked %parallel_loop3A_364 {strides = array<i32>} : memref<272xi32, #tpu.memory_space<vmem>>, vector<16xi32>, vector<16xi1>
        %parallel_loop3A_367 = arith.index_cast %parallel_loop3A_334 : i32 to index
        %parallel_loop3A_368 = tpu.vector_load %arg10[%parallel_loop3A_367] masked %parallel_loop3A_364 {strides = array<i32>} : memref<272xi32, #tpu.memory_space<vmem>>, vector<16xi32>, vector<16xi1>
        tpu.vector_store %arg10[%parallel_loop3A_367], %parallel_loop3A_341 masked %parallel_loop3A_364 {strides = array<i32>} : memref<272xi32, #tpu.memory_space<vmem>>, vector<16xi32>, vector<16xi1>
        %parallel_loop3A_369 = tpu.all_reduce %parallel_loop3A_364 {dim = 0 : i64, kind = #tpu.reduction_kind<sum>} : vector<16xi1> -> vector<16xi32>
        %parallel_loop3A_370 = arith.constant true
        %parallel_loop3A_371 = vector.broadcast %parallel_loop3A_370 : i1 to vector<16xi1>
        %parallel_loop3A_372 = arith.constant -2147483648 : i32
        %parallel_loop3A_373 = vector.broadcast %parallel_loop3A_372 : i32 to vector<16xi32>
        %parallel_loop3A_374 = arith.xori %parallel_loop3A_369, %parallel_loop3A_373 : vector<16xi32>
        %parallel_loop3A_375 = tpu.scan <max>, %parallel_loop3A_374 masked %parallel_loop3A_371 : vector<16xi32>, vector<16xi1> -> vector<16xi32>
        %parallel_loop3A_376 = arith.xori %parallel_loop3A_375, %parallel_loop3A_373 : vector<16xi32>
        %parallel_loop3A_377 = vector.extract %parallel_loop3A_376[15] : i32 from vector<16xi32>
        %parallel_loop3A_378 = arith.addi %parallel_loop3A_334, %parallel_loop3A_377 : i32
        %parallel_loop3A_379 = arith.constant true
        %parallel_loop3A_380 = vector.broadcast %parallel_loop3A_379 : i1 to vector<16xi1>
        %parallel_loop3A_381 = arith.constant -2147483648 : i32
        %parallel_loop3A_382 = vector.broadcast %parallel_loop3A_381 : i32 to vector<16xi32>
        %parallel_loop3A_383 = arith.xori %parallel_loop3A_360, %parallel_loop3A_382 : vector<16xi32>
        %parallel_loop3A_384 = tpu.scan <max>, %parallel_loop3A_383 masked %parallel_loop3A_380 : vector<16xi32>, vector<16xi1> -> vector<16xi32>
        %parallel_loop3A_385 = arith.xori %parallel_loop3A_384, %parallel_loop3A_382 : vector<16xi32>
        %parallel_loop3A_386 = vector.extract %parallel_loop3A_385[15] : i32 from vector<16xi32>
        scf.yield %parallel_loop3A_378, %parallel_loop3A_386 : i32, i32
      } {sc.loop_unroll_factor = 1 : i64, sc.parallel_access}
      %parallel_loop3A_327 = arith.constant 0 : i32
      %parallel_loop3A_328 = arith.constant 16 : i32
      %parallel_loop3A_329 = arith.constant 1 : i32
      scf.for %parallel_loop3A_333 = %parallel_loop3A_327 to %parallel_loop3A_328 step %parallel_loop3A_329  : i32 {
        %parallel_loop3A_334 = arith.constant 16 : i32
        %parallel_loop3A_335 = arith.muli %parallel_loop3A_333, %parallel_loop3A_334 : i32
        %parallel_loop3A_336 = arith.index_cast %parallel_loop3A_335 : i32 to index
        %parallel_loop3A_337 = tpu.vector_load %arg9[%parallel_loop3A_336] {strides = array<i32>} : memref<272xi32, #tpu.memory_space<vmem>>, vector<16xi32>,
        %parallel_loop3A_338 = arith.constant 16 : i32
        %parallel_loop3A_339 = arith.muli %parallel_loop3A_333, %parallel_loop3A_338 : i32
        %parallel_loop3A_340 = arith.index_cast %parallel_loop3A_339 : i32 to index
        %parallel_loop3A_341 = tpu.vector_load %arg10[%parallel_loop3A_340] {strides = array<i32>} : memref<272xi32, #tpu.memory_space<vmem>>, vector<16xi32>,
        %parallel_loop3A_342 = arith.constant 31 : i32
        %parallel_loop3A_343 = vector.broadcast %parallel_loop3A_342 : i32 to vector<16xi32>
        %parallel_loop3A_344 = arith.shrsi %parallel_loop3A_337, %parallel_loop3A_343 : vector<16xi32>
        %parallel_loop3A_345 = arith.constant 2147483647 : i32
        %parallel_loop3A_346 = vector.broadcast %parallel_loop3A_345 : i32 to vector<16xi32>
        %parallel_loop3A_347 = arith.andi %parallel_loop3A_344, %parallel_loop3A_346 : vector<16xi32>
        %parallel_loop3A_348 = arith.xori %parallel_loop3A_337, %parallel_loop3A_347 : vector<16xi32>
        %parallel_loop3A_349 = tpu.bitcast %parallel_loop3A_348 : vector<16xi32> -> vector<16xf32>
        tpu.vector_store_idx %arg8[%parallel_loop3A_341], %parallel_loop3A_349 : memref<8192xf32, #tpu.memory_space<vmem>>[vector<16xi32>], vector<16xf32>,
      } {sc.loop_unroll_factor = 4 : i64, sc.parallel_access}
      "tpu.region"() ({
        %run_scoped3A = tpu.sem_alloc : memref<!tpu.dma_semaphore, #tpu.memory_space<semaphore_mem>>
        %dma_start3A = arith.constant 0 : i32
        %dma_start3A_333 = tpu.memref_slice %arg3[%add3A_16, %dma_start3A] : memref<128x8192xf32, #tpu.memory_space<hbm>> -> memref<1x8192xf32, #tpu.memory_space<hbm>>
        %dma_start3A_334 = tpu.memref_squeeze %dma_start3A_333 : memref<1x8192xf32, #tpu.memory_space<hbm>> -> memref<8192xf32, #tpu.memory_space<hbm>>
        %dma_start3A_335 = arith.constant 0 : i32
        %dma_start3A_336 = tpu.memref_slice %arg3[%add3A_16, %dma_start3A_335] : memref<128x8192xf32, #tpu.memory_space<hbm>> -> memref<1x8192xf32, #tpu.memory_space<hbm>>
        %dma_start3A_337 = tpu.memref_squeeze %dma_start3A_336 : memref<1x8192xf32, #tpu.memory_space<hbm>> -> memref<8192xf32, #tpu.memory_space<hbm>>
        tpu.enqueue_dma source(%arg8 : memref<8192xf32, #tpu.memory_space<vmem>>) target(%dma_start3A_337 : memref<8192xf32, #tpu.memory_space<hbm>>) target_semaphore(%run_scoped3A : memref<!tpu.dma_semaphore, #tpu.memory_space<semaphore_mem>>)
        %dma_wait3A = arith.constant 0 : i32
        %dma_wait3A_338 = tpu.memref_slice %arg3[%add3A_16, %dma_wait3A] : memref<128x8192xf32, #tpu.memory_space<hbm>> -> memref<1x8192xf32, #tpu.memory_space<hbm>>
        %dma_wait3A_339 = tpu.memref_squeeze %dma_wait3A_338 : memref<1x8192xf32, #tpu.memory_space<hbm>> -> memref<8192xf32, #tpu.memory_space<hbm>>
        %dma_wait3A_340 = arith.constant 0 : i32
        %dma_wait3A_341 = tpu.memref_slice %arg3[%add3A_16, %dma_wait3A_340] : memref<128x8192xf32, #tpu.memory_space<hbm>> -> memref<1x8192xf32, #tpu.memory_space<hbm>>
        %dma_wait3A_342 = tpu.memref_squeeze %dma_wait3A_341 : memref<1x8192xf32, #tpu.memory_space<hbm>> -> memref<8192xf32, #tpu.memory_space<hbm>>
        tpu.wait_dma2 semaphore(%run_scoped3A : memref<!tpu.dma_semaphore, #tpu.memory_space<semaphore_mem>>) src(%arg8 : memref<8192xf32, #tpu.memory_space<vmem>>) dst(%dma_wait3A_342 : memref<8192xf32, #tpu.memory_space<hbm>>)
        tpu.yield
      }) : () -> ()
      %parallel_loop3A_330 = arith.constant 0 : i32
      %parallel_loop3A_331 = arith.constant 16 : i32
      %parallel_loop3A_332 = arith.constant 1 : i32
      scf.for %parallel_loop3A_333 = %parallel_loop3A_330 to %parallel_loop3A_331 step %parallel_loop3A_332  : i32 {
        %parallel_loop3A_334 = arith.constant 16 : i32
        %parallel_loop3A_335 = arith.muli %parallel_loop3A_333, %parallel_loop3A_334 : i32
        %parallel_loop3A_336 = arith.index_cast %parallel_loop3A_335 : i32 to index
        %parallel_loop3A_337 = tpu.vector_load %arg10[%parallel_loop3A_336] {strides = array<i32>} : memref<272xi32, #tpu.memory_space<vmem>>, vector<16xi32>,
        tpu.vector_store_idx %arg8[%parallel_loop3A_337], %broadcast_in_dim3A_2 : memref<8192xf32, #tpu.memory_space<vmem>>[vector<16xi32>], vector<16xf32>,
      } {sc.loop_unroll_factor = 4 : i64, sc.parallel_access}
    }
    %scan3A_12 = arith.constant 4 : i32
    return
  }
}

</mosaic_0001>

<sc_bundles>
// kernel: kernel.3.cloned.1.call-start
scs
__scs_entry_jumppad:
0x0: {  	(pc) =	sbr.rel $0x88, $3  }
0x1: {  	(tag) =	ssettag $0x0;
	lr =	simm.s32 $0x1  }
0x2: {  	[smem:$0x3FA0] =	sst lr;
	_ =	strace $0xD0000000  }
0x3: {  	_ = 	snop  }
0x4: {  	_ = 	snop  }
0x5: {  	_ = 	snop  }
0x6: {  	_ = 	snop  }
0x7: {  	_ = 	snop  }
__scs_overlays_trampoline_lowered:
0x8: {  	[smem:$0x3FAF] =	sst s0  }
0x9: {  	[smem:$0x3FB0] =	sst s1  }
0xa: {  	[smem:$0x3FB1] =	sst s2  }
0xb: {  	[smem:$0x3FB2] =	sst s3  }
0xc: {  	[smem:$0x3FB3] =	sst s4  }
0xd: {  	[smem:$0x3FB4] =	sst s5  }
0xe: {  	[smem:$0x3FB5] =	sst s6  }
0xf: {  	[smem:$0x3FB6] =	sst s7  }
0x10: {  	[smem:$0x3FB7] =	sst s8  }
0x11: {  	[smem:$0x3FB8] =	sst s9;
	s0 =	simm.s32 @!p0 $0x0  }
0x12: {  	s1 =	sld [smem:$0x3F9E];
	s0 =	simm.s32 @p0 $0x1  }
0x13: {  	[smem:$0x3FB9] =	sst s0;
	s0 =	simm.s32 @!p1 $0x0  }
0x14: {  	s2 =	sld [smem:$0x3F9D];
	s0 =	simm.s32 @p1 $0x1  }
0x15: {  	[smem:$0x3FBA] =	sst s0;
	s0 =	simm.s32 @!p2 $0x0  }
0x16: {  	s3 =	sld [smem:$0x3FDB];
	s0 =	simm.s32 @p2 $0x1  }
0x17: {  	s4 =	simm.s32 $0x1BF5;
	[smem:$0x3FBC] =	sst s0  }
0x18: {  	s0 =	sld [smem:$0x3F9F];
	_ =	swait.ge [sflag:s4], $0x0  }
0x19: {  	s7 =	sld [smem:$0x3FA0]  }
0x1a: {  	s8 =	sadd.s32 $0xFFFFE003, lr  }
0x1b: {  	s9 =	sadd.s32 $0xFFFFFEF7, lr;
	s5 =	simm.s32 $0xFFFFFFFF;
	p2 =	slt.u32 s8, $0xFFFFF086  }
0x1c: {  	p1 =	slt.u32 s9, $0xF7A;
	s5 =	simm.s32 @!p2 $0x0  }
0x1d: {  	s5 =	simm.s32 @p1 $0x1;
	p0 =	seq.s32 s7, s2  }
0x1e: {  	s7 =	smul.u32 @!p0 $0xF7A, s2;
	p2 =	seq.s32 @!p0 s5, $0x0  }
0x1f: {  	s9 =	smul.u32 $0xF7A, s1;
	s8 =	simm.s32 @!p0 $0x1BF5;
	p2 =	por !p2, p0  }
0x20: {  	[sflag:s8] =	ssyncset.s32 @!p0 $0xFFFFF086;
	s6 =	sadd.s32 @!p0 s3, s7;
	s7 =	simm.s32 @!p0 $0x108  }
0x21: {  	s3 =	sadd.s32 s3, s9;
	s6 =	sadd.s32 @!p0 $0x88, s6;
	s7 =	simm.s32 @p2 $0x1082  }
0x22: {  	[simem:s7], [sflag:s8] =	dma.local @!p0 [hbm:s6], $0xF7A  }
0x23: {  	s9 =	sor.u32 $0xD0000000, s2;
	s6 =	simm.s32 $0x108;
	_ =	swait.ge @!p0 [sflag:s8], $0x0  }
0x24: {  	s3 =	sadd.s32 $0x88, s3;
	s6 =	simm.s32 @!p1 $0x1082;
	[sflag:s4] =	ssyncset.s32 $0xFFFFF086  }
0x25: {  	[simem:s6], [sflag:s4] =	dma.local [hbm:s3], $0xF7A  }
0x26: {  	[smem:$0x3FA0] =	sst s1;
	(tag) =	ssettag s2;
	_ =	strace s9  }
0x27: {  	s1 =	sld [smem:$0x3FB0]  }
0x28: {  	s2 =	sld [smem:$0x3FB1]  }
0x29: {  	s4 =	sld [smem:$0x3FB3]  }
0x2a: {  	p0 =	seq.s32 s5, $0x0;
	s5 =	sld [smem:$0x3FB4]  }
0x2b: {  	s6 =	sld [smem:$0x3FB5]  }
0x2c: {  	s7 =	sld [smem:$0x3FB6]  }
0x2d: {  	s3 =	simm.s32 $0x108;
	s8 =	sld [smem:$0x3FB7]  }
0x2e: {  	s3 =	simm.s32 @!p0 $0x1082;
	s9 =	sld [smem:$0x3FB8]  }
0x2f: {  	lr =	sadd.s32 s0, s3;
	s0 =	sld [smem:$0x3FAF]  }
0x30: {  	s3 =	sld [smem:$0x3FB2]  }
0x31: {  	[smem:$0x3FBB] =	sst s10  }
0x32: {  	s10 =	sld [smem:$0x3FB9];
	_ =	sdelay $0x3  }
0x33: {  	p0 =	seq.s32 s10, $0x1;
	s10 =	sld [smem:$0x3FBB];
	_ =	sdelay $0x3  }
0x34: {  	[smem:$0x3FBB] =	sst s10  }
0x35: {  	s10 =	sld [smem:$0x3FBA];
	_ =	sdelay $0x3  }
0x36: {  	p1 =	seq.s32 s10, $0x1;
	s10 =	sld [smem:$0x3FBB];
	_ =	sdelay $0x3  }
0x37: {  	[smem:$0x3FBB] =	sst s10  }
0x38: {  	s10 =	sld [smem:$0x3FBC]  }
0x39: {  	_ = 	snop;
	(pc) =	sbr.ind lr, $3  }
0x3a: {  	_ = 	snop  }
0x3b: {  	_ = 	snop  }
0x3c: {  	p2 =	seq.s32 s10, $0x1;
	s10 =	sld [smem:$0x3FBB]  }
0x3d: {  	_ =	shalt  }
0x3e: {  	_ =	shalt  }
0x3f: {  	_ =	shalt  }
0x40: {  	_ =	shalt  }
0x41: {  	_ =	shalt  }
0x42: {  	_ =	shalt  }
0x43: {  	_ =	shalt  }
0x44: {  	_ =	shalt  }
0x45: {  	_ =	shalt  }
0x46: {  	_ =	shalt  }
0x47: {  	_ =	shalt  }
0x48: {  	_ =	shalt  }
0x49: {  	_ =	shalt  }
0x4a: {  	_ =	shalt  }
0x4b: {  	_ =	shalt  }
0x4c: {  	_ =	shalt  }
0x4d: {  	_ =	shalt  }
0x4e: {  	_ =	shalt  }
0x4f: {  	_ =	shalt  }
0x50: {  	_ =	shalt  }
0x51: {  	_ =	shalt  }
0x52: {  	_ =	shalt  }
0x53: {  	_ =	shalt  }
0x54: {  	_ =	shalt  }
0x55: {  	_ =	shalt  }
0x56: {  	_ =	shalt  }
0x57: {  	_ =	shalt  }
0x58: {  	_ =	shalt  }
0x59: {  	_ =	shalt  }
0x5a: {  	_ =	shalt  }
0x5b: {  	_ =	shalt  }
0x5c: {  	_ =	shalt  }
0x5d: {  	_ =	shalt  }
0x5e: {  	_ =	shalt  }
0x5f: {  	_ =	shalt  }
0x60: {  	_ =	shalt  }
0x61: {  	_ =	shalt  }
0x62: {  	_ =	shalt  }
0x63: {  	_ =	shalt  }
0x64: {  	_ =	shalt  }
0x65: {  	_ =	shalt  }
0x66: {  	_ =	shalt  }
0x67: {  	_ =	shalt  }
0x68: {  	_ =	shalt  }
0x69: {  	_ =	shalt  }
0x6a: {  	_ =	shalt  }
0x6b: {  	_ =	shalt  }
0x6c: {  	_ =	shalt  }
0x6d: {  	_ =	shalt  }
0x6e: {  	_ =	shalt  }
0x6f: {  	_ =	shalt  }
0x70: {  	_ =	shalt  }
0x71: {  	_ =	shalt  }
0x72: {  	_ =	shalt  }
0x73: {  	_ =	shalt  }
0x74: {  	_ =	shalt  }
0x75: {  	_ =	shalt  }
0x76: {  	_ =	shalt  }
0x77: {  	_ =	shalt  }
0x78: {  	_ =	shalt  }
0x79: {  	_ =	shalt  }
0x7a: {  	_ =	shalt  }
0x7b: {  	_ =	shalt  }
0x7c: {  	_ =	shalt  }
0x7d: {  	_ =	shalt  }
0x7e: {  	_ =	shalt  }
0x7f: {  	_ =	shalt  }
0x80: {  	_ =	shalt  }
0x81: {  	_ =	shalt  }
0x82: {  	_ =	shalt  }
0x83: {  	_ =	shalt  }
0x84: {  	_ =	shalt  }
0x85: {  	_ =	shalt  }
0x86: {  	_ =	shalt  }
0x87: {  	_ =	shalt  }
.Lfunc_end0:
.L_simem_size_0:
called_computation_lowered:
.L_overlay_start_0:
0x88: {  	s2 =	sld [smem:$0x3FD9]  }
0x89: {  	s3 =	sld [smem:$0x3FFE];
	_ =	sdelay $0x1  }
0x8a: {  	s1 =	srdreg.scid  }
0x8b: {  	s0 =	sand.u32 $0x1, s1  }
0x8c: {  	s18 =	sshll.u32 s0, $0xA;
	s2 =	sadd.s32 s3, s2  }
0x8d: {  	s2 =	sadd.s32 s2, s18  }
0x8e: {  	[smem:$0x3FC7] =	sst s2  }
0x8f: {  	_ = 	snop  }
0x90: {  	s2 =	sld [smem:$0x3FC9]  }
0x91: {  	s19 =	sld [smem:$0x3FD0];
	(tm) =	ssettm $0x1  }
0x92: {  	s4 =	sld [smem:$0x3FFB];
	_ =	sdelay $0x3  }
0x93: {  	_ =	strace s4  }
0x94: {  	s4 =	sld [smem:$0x3FFC];
	_ =	sdelay $0x3  }
0x95: {  	_ =	strace s4  }
0x96: {  	s4 =	sld [smem:$0x3FFD];
	_ =	sdelay $0x3  }
0x97: {  	_ =	strace s4  }
0x98: {  	_ =	strace $0x8FFFFFFF  }
0x99: {  	s20 =	sld [smem:$0x3FDB];
	_ =	sdelay $0x1  }
0x9a: {  	s5 =	simm.s32 $_scs_section_size  }
0x9b: {  	s6 =	simm.s32 $_size__tile_overlayer_lowered;
	s7 =	simm.s32 $_tile_overlayer_lowered  }
0x9c: {  	s23 =	simm.s32 $0x1BFF;
	s22 =	sshll.u32 s7, $0x1;
	s4 =	sadd.s32 s5, s20  }
0x9d: {  	s8 =	simm.s32 $0x0;
	s21 =	sshll.u32 s6, $0x1;
	s6 =	sadd.s32 s22, s4  }
0x9e: {  	[timem:s8], [sflag:s23] =	dma.local [hbm:s6], s21  }
0x9f: {  	_ =	swait.ge [sflag:s23], s21  }
0xa0: {  	s5 =	ssub.s32 $0x0, s21;
	[sflag:s23] =	ssyncset.done $0x0  }
0xa1: {  	[sflag:s23] =	ssyncadd.s32 s5;
	_ =	sdelay $0x1  }
0xa2: {  	s24 =	simm.s32 $0x1B8B  }
0xa3: {  	_ =	swait.ge [sflag:s24], $0x1  }
0xa4: {  	[sflag:s24] =	ssyncset.done $0x0  }
0xa5: {  	s25 =	simm.s32 $0x1B8E;
	[sflag:s24] =	ssyncadd.s32 $0xFFFFFFFF  }
0xa6: {  	s26 =	simm.s32 $execute0_lowered;
	[smem:$0x3FD2] =	sst s25  }
0xa7: {  	s5 =	sshll.u32 s26, $0x1;
	_ =	strace $0x80000046;
	[dreg:$0x1] =	wrdreg $0xFFFFFFFF  }
0xa8: {  	s28 =	simm.s32 $_size_execute0_lowered;
	s4 =	sadd.s32 s4, s5;
	[dreg:$0x0] =	wrdreg $0x0  }
0xa9: {  	s5 =	sshll.u32 s28, $0x1;
	[dreg:$0x2] =	wrdreg s4  }
0xaa: {  	[dreg:$0x3] =	wrdreg s5  }
0xab: {  	[dreg:$0x4] =	wrdreg $0xC0  }
0xac: {  	_ =	task [dreg:s8], $0x5FFFF  }
0xad: {  	[dreg:$0x1] =	wrdreg $0xFFFFFFFF  }
0xae: {  	[dreg:$0x0] =	wrdreg $0x60  }
0xaf: {  	[dreg:$0x2] =	wrdreg s2  }
0xb0: {  	[dreg:$0x3] =	wrdreg s19  }
0xb1: {  	[dreg:$0x4] =	wrdreg $0x9  }
0xb2: {  	_ =	task.clear_ibuf [dreg:s8], $0x5FFFF;
	_ =	strace $0x90000046  }
0xb3: {  	s29 =	simm.s32 $0x9;
	_ =	strace $0x80000048  }
0xb4: {  	_ =	swait.ge [sflag:s29], $0x1  }
0xb5: {  	[sflag:s29] =	ssyncadd.s32 $0xFFFFFFFF  }
0xb6: {  	_ =	strace $0x90000048  }
0xb7: {  	_ =	sfence  }
0xb8: {  	s30 =	sld [smem:$0x0];
	_ =	sdelay $0x2  }
0xb9: {  	s31 =	sshll.u32 s1, $0xD;
	s1 =	sshrl.u32 s1, $0x2  }
0xba: {  	s3 =	sand.u32 $0x4000, s31;
	s1 =	sadd.s32 s1, s30  }
0xbb: {  	s0 =	sor.u32 s3, s0;
	s1 =	sshll.u32 s1, $0x11  }
0xbc: {  	s0 =	sor.u32 s1, s0  }
0xbd: {  	s0 =	sadd.s32 $0x8F2B, s0  }
0xbe: {  	[sflag:s0] =	ssyncadd.remote.s32 $0x1  }
0xbf: {  	_ =	sfence.sel $0xFFFF  }
0xc0: {  	[dreg:$0x0] =	wrdreg $0xFFFFFFFF;
	(pc) =	sbr.abs _section_cstart, $3  }
0xc1: {  	[dreg:$0x1] =	wrdreg $0xFFFFFFFF  }
0xc2: {  	_ =	task.clear_ibuf [dreg:s8], $0x2FFFF;
	_ =	strace $0x9FFFFFFF  }
0xc3: {  	(tm) =	ssettm $0x7FFFFFFF  }
tec
execute0_lowered:
.L_overlay_start_1:
0x0: {  	(tag) =	ssettag $0x1  }
0x1: {  	s0 =	srdreg.scid;
	s4 =	simm.s32 $0x0;
	s1 =	stileid.u32  }
0x2: {  	s7 =	simm.s32 $0x80;
	s8 =	simm.s32 $0x400;
	s0 =	sand.u32 $0x1, s0  }
.Ltmp0:
0x3: {  	s9 =	simm.s32 $0x1;
	s3 =	ssub.s32 $0x2, s0;
	(pc) =	sbr.rel .LBB2_1-.Ltmp0, $4  }
0x4: {  	v0 =	vlaneseq.u32;
	s10 =	simm.s32 $0x2000;
	s11 =	simm.s32 $0x7100;
	s5 =	sshrl.u32 s3, $0x1  }
0x5: {  	[smem:$0x7FF] =	sst s4;
	s30 =	sshll.u32 s1, $0xD;
	v4 =	vmul.u32 $0xFFFFFFFF, v0;
	s3 =	ssub.s32 s3, s5  }
0x6: {  	v1 =	vimm.s32 $0x0;
	s1 =	simm.s32 $0x0;
	s0 =	sshll.u32 s0, $0x6;
	s31 =	smax.u32 s3, $0x1  }
0x7: {  	v2 =	vimm.f32 $0.0e+00;
	v3 =	vimm.s32 $0x1;
	_ =	strace $0x80000047;
	v4 =	vadd.s32 $0xF, v4;
	s5 =	sor.u32 s30, s0;
	[dreg:$0x3] =	wrdreg s31  }
.LBB2_35:
0x8: {  	s1 =	rddreg [dreg:$0x4]  }
0x9: {  	s0 =	rddreg [dreg:$0x3];
	s1 =	sadd.s32 $0x1, s1  }
0xa: {  	p0 =	sne.s32 s1, s0  }
.Ltmp1:
0xb: {  	_ = 	snop;
	(pc) =	sbr.rel @!p0 .LBB2_36-.Ltmp1, $1  }
0xc: {  	_ =	sdelay $0x3  }
.LBB2_1:
0xd: {  	[dreg:$0x4] =	wrdreg s1;
	s14 =	simm.s32 $0x2040  }
0xe: {  	[tilespmem:s14+$0xFFFFFFD0] =	vst v1  }
0xf: {  	[tilespmem:s14+$0x30] =	vst v1  }
0x10: {  	[tilespmem:s14+$0xFFFFFFF0] =	vst v1  }
0x11: {  	[tilespmem:s14+$0x0] =	vst v1  }
0x12: {  	[tilespmem:s14+$0xFFFFFFE0] =	vst v1  }
0x13: {  	[tilespmem:s14+$0x10] =	vst v1  }
0x14: {  	[tilespmem:s14+$0x20] =	vst v1  }
0x15: {  	s15 =	simm.s32 $0x8100;
	[tilespmem:s14+$0xFFFFFFC0] =	vst v1  }
0x16: {  	[tilespmem:s15+$0x0] =	vst v2  }
0x17: {  	[tilespmem:s15+$0xFFFFF000] =	vst v2  }
0x18: {  	[tilespmem:s15+$0x70] =	vst v2  }
0x19: {  	[tilespmem:s15+$0xFFFFF070] =	vst v2  }
0x1a: {  	[tilespmem:s15+$0x60] =	vst v2  }
0x1b: {  	[tilespmem:s15+$0xFFFFF060] =	vst v2  }
0x1c: {  	[tilespmem:s15+$0x50] =	vst v2  }
0x1d: {  	s0 =	simm.s32 $0x0;
	s3 =	simm.s32 $0x8100;
	[tilespmem:s15+$0x20] =	vst v2  }
.LBB2_2:
0x1e: {  	s0 =	sadd.s32 $0x8, s0;
	[tilespmem:s15+$0x30] =	vst v2;
	s14 =	sadd.s32 $0x80, s14;
	s3 =	sadd.s32 $0x80, s3  }
0x1f: {  	p0 =	slt.u32 s0, $0xF8;
	[tilespmem:s15+$0x10] =	vst v2  }
0x20: {  	[tilespmem:s15+$0x40] =	vst v2  }
0x21: {  	[tilespmem:s15+$0xFFFFF010] =	vst v2  }
0x22: {  	[tilespmem:s15+$0xFFFFF030] =	vst v2  }
0x23: {  	[tilespmem:s15+$0xFFFFF020] =	vst v2  }
0x24: {  	[tilespmem:s15+$0xFFFFF040] =	vst v2  }
0x25: {  	[tilespmem:s15+$0xFFFFF050] =	vst v2;
	s15 =	smov.u32 s3  }
0x26: {  	[tilespmem:s14+$0xFFFFFFD0] =	vst v1  }
0x27: {  	[tilespmem:s14+$0x30] =	vst v1  }
0x28: {  	[tilespmem:s14+$0xFFFFFFF0] =	vst v1  }
0x29: {  	[tilespmem:s14+$0x0] =	vst v1  }
0x2a: {  	[tilespmem:s14+$0xFFFFFFE0] =	vst v1  }
0x2b: {  	[tilespmem:s14+$0x10] =	vst v1  }
0x2c: {  	[tilespmem:s14+$0x20] =	vst v1  }
0x2d: {  	[tilespmem:s14+$0xFFFFFFC0] =	vst v1  }
0x2e: {  	[tilespmem:s3+$0x0] =	vst v2  }
0x2f: {  	[tilespmem:s3+$0xFFFFF000] =	vst v2  }
0x30: {  	[tilespmem:s3+$0x70] =	vst v2  }
.Ltmp2:
0x31: {  	[tilespmem:s3+$0xFFFFF070] =	vst v2;
	(pc) =	sbr.rel @p0 .LBB2_2-.Ltmp2, $4  }
0x32: {  	[tilespmem:s3+$0x60] =	vst v2  }
0x33: {  	[tilespmem:s3+$0xFFFFF060] =	vst v2  }
0x34: {  	[tilespmem:s3+$0x50] =	vst v2  }
0x35: {  	s13 =	simm.s32 $0x0;
	[tilespmem:s3+$0x20] =	vst v2  }
0x36: {  	[tilespmem:s15+$0x30] =	vst v2  }
0x37: {  	[tilespmem:s15+$0x10] =	vst v2  }
0x38: {  	[tilespmem:s15+$0x40] =	vst v2  }
0x39: {  	[tilespmem:s15+$0xFFFFF010] =	vst v2  }
0x3a: {  	[tilespmem:s15+$0xFFFFF030] =	vst v2  }
0x3b: {  	[tilespmem:s15+$0xFFFFF020] =	vst v2  }
0x3c: {  	[tilespmem:s15+$0xFFFFF040] =	vst v2  }
0x3d: {  	[tilespmem:s15+$0xFFFFF050] =	vst v2  }
.LBB2_4:
0x3e: {  	s0 =	sshll.u32 s13, $0x4  }
0x3f: {  	s30 =	rddreg [dreg:$0x0];
	s14 =	sadd.s32 s5, s0  }
0x40: {  	s0 =	sadd.s32 s30, s14  }
0x41: {  	[tilespmem:s4], [sflag:$0x1] =	stream.strided.gather [hbm4b:s0+s7], $0x2000, s8, s7, $0x38;
	[tilespmem:$0x9400] =	vst v63  }
0x42: {  	_ =	swait.ge [sflag:s9], $0x2000  }
0x43: {  	[sflag:s9] =	ssyncset.done $0x0  }
0x44: {  	s31 =	simm.s32 $0x40;
	[sflag:s9] =	ssyncadd.s32 $0xFFFFE000  }
0x45: {  	v5 =	vld [tilespmem:s31+$0x30]  }
0x46: {  	v6 =	vld [tilespmem:s31+$0xFFFFFFD0]  }
0x47: {  	v7 =	vld [tilespmem:s31+$0xFFFFFFE0]  }
0x48: {  	v8 =	vld [tilespmem:s31+$0xFFFFFFF0]  }
0x49: {  	v9 =	vld [tilespmem:s31+$0x0];
	_ =	sdelay $0x1  }
0x4a: {  	v10 =	vld [tilespmem:s31+$0x10]  }
0x4b: {  	v13 =	vld [tilespmem:s31+$0x20]  }
0x4c: {  	v14 =	vld [tilespmem:s31+$0xFFFFFFC0];
	v11 =	vshra.s32 v5, $0x1F;
	v12 =	vshra.s32 v6, $0x1F;
	v15 =	vshra.s32 v7, $0x1F  }
0x4d: {  	v62 =	vshra.s32 v8, $0x1F;
	v16 =	vshra.s32 v9, $0x1F;
	v11 =	vand.u32 $0x7FF00000, v11  }
0x4e: {  	v12 =	vand.u32 $0x7FF00000, v12;
	v5 =	vxor.u32 v5, v11;
	v11 =	vand.u32 $0x7FF00000, v15  }
0x4f: {  	v15 =	vand.u32 $0x7FF00000, v62;
	v12 =	vxor.u32 v6, v12;
	v5 =	vshra.s32 v5, $0x14  }
0x50: {  	v6 =	vshra.s32 v10, $0x1F;
	v63 =	vxor.u32 v7, v11;
	v17 =	vadd.s32 $0x800, v5  }
0x51: {  	v7 =	vand.u32 $0x7FF00000, v6;
	v6 =	vshra.s32 v13, $0x1F;
	v11 =	vshra.s32 v14, $0x1F  }
0x52: {  	v15 =	vxor.u32 v8, v15;
	v5 =	vand.u32 $0x7FF00000, v16;
	v8 =	vand.u32 $0x7FF00000, v6  }
0x53: {  	v11 =	vand.u32 $0x7FF00000, v11;
	v6 =	vxor.u32 v9, v5;
	v5 =	vxor.u32 v10, v7  }
0x54: {  	s18 =	simm.s32 $0x0;
	v9 =	vxor.u32 v14, v11;
	v7 =	vshra.s32 v12, $0x14;
	v8 =	vxor.u32 v13, v8  }
0x55: {  	s15 =	simm.s32 $0xFC0;
	s17 =	simm.s32 $0x2FF0;
	s19 =	simm.s32 $0xC0;
	v10 =	vshra.s32 v63, $0x14;
	v11 =	vshra.s32 v9, $0x14;
	v9 =	vshra.s32 v15, $0x14;
	[tilespmem:v17+s10+$0x0] =	vst.idx.add.s32.msk $0xffff, v3  }
.LBB2_5:
0x56: {  	v13 =	vld [tilespmem:s19+$0x30];
	s18 =	sadd.s32 $0x8, s18;
	v6 =	vshra.s32 v6, $0x14;
	v5 =	vshra.s32 v5, $0x14;
	v8 =	vshra.s32 v8, $0x14  }
0x57: {  	v11 =	vadd.s32 $0x800, v11;
	v7 =	vadd.s32 $0x800, v7;
	v10 =	vadd.s32 $0x800, v10;
	v14 =	vld [tilespmem:s19+$0xFFFFFFD0];
	p0 =	slt.u32 s18, $0x1F8  }
0x58: {  	v9 =	vadd.s32 $0x800, v9;
	v6 =	vadd.s32 $0x800, v6;
	v16 =	vadd.s32 $0x800, v5;
	v15 =	vld [tilespmem:s19+$0xFFFFFFE0]  }
0x59: {  	v17 =	vadd.s32 $0x800, v8;
	v5 =	vld [tilespmem:s19+$0xFFFFFFF0]  }
0x5a: {  	v8 =	vld [tilespmem:s19+$0x0]  }
0x5b: {  	v18 =	vld [tilespmem:s19+$0x10];
	v19 =	vshra.s32 v13, $0x1F  }
0x5c: {  	v12 =	vimm.s32 $0x0;
	v20 =	vshra.s32 v14, $0x1F;
	v21 =	vld [tilespmem:s19+$0x20];
	v19 =	vand.u32 $0x7FF00000, v19  }
0x5d: {  	v22 =	vld [tilespmem:s19+$0xFFFFFFC0];
	v20 =	vand.u32 $0x7FF00000, v20;
	v23 =	vshra.s32 v15, $0x1F;
	v13 =	vxor.u32 v13, v19  }
0x5e: {  	v19 =	vand.u32 $0x7FF00000, v23;
	v23 =	vshra.s32 v5, $0x1F;
	v13 =	vshra.s32 v13, $0x14;
	[tilespmem:v11+s10+$0x0] =	vst.idx.add.s32.msk $0xffff, v3  }
0x5f: {  	v11 =	vand.u32 $0x7FF00000, v23;
	v23 =	vshra.s32 v8, $0x1F;
	v13 =	vadd.s32 $0x800, v13;
	[tilespmem:v7+s10+$0x0] =	vst.idx.add.s32.msk $0xffff, v3  }
0x60: {  	v7 =	vxor.u32 v14, v20;
	v14 =	vand.u32 $0x7FF00000, v23;
	v20 =	vshra.s32 v18, $0x1F;
	[tilespmem:v10+s10+$0x0] =	vst.idx.add.s32.msk $0xffff, v3  }
.Ltmp3:
0x61: {  	v10 =	vxor.u32 v15, v19;
	v15 =	vand.u32 $0x7FF00000, v20;
	v19 =	vshra.s32 v21, $0x1F;
	[tilespmem:v9+s10+$0x0] =	vst.idx.add.s32.msk $0xffff, v3;
	(pc) =	sbr.rel @p0 .LBB2_5-.Ltmp3, $4  }
0x62: {  	v20 =	vxor.u32 v5, v11;
	v9 =	vshra.s32 v22, $0x1F;
	v11 =	vand.u32 $0x7FF00000, v19;
	[tilespmem:v6+s10+$0x0] =	vst.idx.add.s32.msk $0xffff, v3  }
0x63: {  	v6 =	vxor.u32 v8, v14;
	v5 =	vxor.u32 v18, v15;
	v9 =	vand.u32 $0x7FF00000, v9;
	[tilespmem:v16+s10+$0x0] =	vst.idx.add.s32.msk $0xffff, v3  }
0x64: {  	s16 =	simm.s32 $0x0;
	v7 =	vshra.s32 v7, $0x14;
	v8 =	vxor.u32 v21, v11;
	v9 =	vxor.u32 v22, v9;
	[tilespmem:v13+s10+$0x0] =	vst.idx.add.s32.msk $0xffff, v3  }
0x65: {  	s19 =	sadd.s32 $0x80, s19;
	v10 =	vshra.s32 v10, $0x14;
	v11 =	vshra.s32 v9, $0x14;
	v9 =	vshra.s32 v20, $0x14;
	[tilespmem:v17+s10+$0x0] =	vst.idx.add.s32.msk $0xffff, v3  }
0x66: {  	v11 =	vadd.s32 $0x800, v11  }
0x67: {  	v7 =	vadd.s32 $0x800, v7  }
0x68: {  	v10 =	vadd.s32 $0x800, v10  }
0x69: {  	v6 =	vshra.s32 v6, $0x14;
	v9 =	vadd.s32 $0x800, v9  }
0x6a: {  	v5 =	vshra.s32 v5, $0x14;
	v6 =	vadd.s32 $0x800, v6  }
0x6b: {  	v8 =	vshra.s32 v8, $0x14;
	v5 =	vadd.s32 $0x800, v5;
	[tilespmem:v11+s10+$0x0] =	vst.idx.add.s32.msk $0xffff, v3  }
0x6c: {  	v8 =	vadd.s32 $0x800, v8;
	[tilespmem:v7+s10+$0x0] =	vst.idx.add.s32.msk $0xffff, v3  }
0x6d: {  	[tilespmem:v10+s10+$0x0] =	vst.idx.add.s32.msk $0xffff, v3  }
0x6e: {  	[tilespmem:v9+s10+$0x0] =	vst.idx.add.s32.msk $0xffff, v3  }
0x6f: {  	[tilespmem:v6+s10+$0x0] =	vst.idx.add.s32.msk $0xffff, v3  }
0x70: {  	[tilespmem:v5+s10+$0x0] =	vst.idx.add.s32.msk $0xffff, v3  }
0x71: {  	[tilespmem:v8+s10+$0x0] =	vst.idx.add.s32.msk $0xffff, v3  }
0x72: {  	v14 =	vld [tilespmem:s17+$0x0];
	_ =	sdelay $0x3  }
0x73: {  	v15 =	vld [tilespmem:s17+$0xFFFFFFF0]  }
0x74: {  	(xrf0) =	vadd.scan.msk.s32 $0xffff, v14  }
0x75: {  	v16 =	vld [tilespmem:s17+$0xFFFFFFE0];
	_ =	sdelay $0x2  }
0x76: {  	[tilespmem:s17+$0xFFFFFFF0] =	vst v1;
	v5 =	vld [tilespmem:s17+$0xFFFFFFD0];
	(xrf0) =	vadd.scan.msk.s32 $0xffff, v15  }
0x77: {  	[tilespmem:s17+$0x0] =	vst v1  }
0x78: {  	[tilespmem:s17+$0xFFFFFFE0] =	vst v1;
	(xrf0) =	vadd.scan.msk.s32 $0xffff, v16;
	v6, _, _ =	vpop (xrf0)  }
0x79: {  	s0 =	simm.s32 $0x2FB0;
	[tilespmem:s17+$0xFFFFFFD0] =	vst v1;
	(v2sf) =	vpush v6, $0xF  }
0x7a: {  	v6 =	vld [tilespmem:s0+$0x0]  }
0x7b: {  	(xrf0) =	vadd.scan.msk.s32 $0xffff, v5  }
0x7c: {  	v7, _, _ =	vpop (xrf0)  }
0x7d: {  	(v2sf) =	vpush v7, $0xF  }
0x7e: {  	v7, _, _ =	vpop (xrf0)  }
0x7f: {  	(v2sf) =	vpush v7, $0xF;
	(xrf0) =	vadd.scan.msk.s32 $0xffff, v6;
	_ =	sdelay $0x1  }
0x80: {  	v7, _, _ =	vpop (xrf0)  }
0x81: {  	(v2sf) =	vpush v7, $0xF;
	v7 =	vld [tilespmem:s0+$0xFFFFFFF0];
	_ =	sdelay $0x2  }
0x82: {  	v8, _, _ =	vpop (xrf0)  }
0x83: {  	(v2sf) =	vpush v8, $0xF;
	v8 =	vld [tilespmem:s0+$0xFFFFFFE0]  }
0x84: {  	v9 =	vld [tilespmem:s0+$0xFFFFFFD0];
	(xrf0) =	vadd.scan.msk.s32 $0xffff, v7  }
0x85: {  	[tilespmem:s0+$0xFFFFFFF0] =	vst v1;
	s3 =	spop (v2sf)  }
0x86: {  	[tilespmem:s0+$0xFFFFFFD0] =	vst v1;
	s3 =	sadd.s32 $0x0, s3  }
0x87: {  	p1 =	por $0x1, $0x1;
	[tilespmem:s0+$0x0] =	vst v1;
	p0 =	sgt.s32 s3, $0xFF  }
0x88: {  	s23 =	simm.s32 $0x2F70;
	[tilespmem:s0+$0xFFFFFFE0] =	vst v1;
	(xrf0) =	vadd.scan.msk.s32 $0xffff, v8;
	p0 =	por !p1, !p0  }
0x89: {  	s20 =	simm.s32 $0x0;
	v10 =	vld [tilespmem:s23+$0x0];
	s30 =	spop (v2sf);
	(xrf0) =	vadd.scan.msk.s32 $0xffff, v9;
	p0 =	por !p0, !p0  }
0x8a: {  	s18 =	simm.s32 $0xF80;
	v17, _, _ =	vpop (xrf0);
	s0 =	sadd.s32 s3, s30;
	s20 =	simm.s32 @p0 $0x1  }
0x8b: {  	s19 =	spop (v2sf);
	(v2sf) =	vpush v17, $0xF;
	p2 =	sgt.s32 s0, $0xFF;
	p3 =	seq.s32 s20, $0x0  }
0x8c: {  	s24 =	simm.s32 $0xF00;
	s25 =	simm.s32 $0xFD0;
	p1 =	por !p2, !p3  }
0x8d: {  	s21 =	simm.s32 $0xFF0;
	s26 =	simm.s32 $0xFE0;
	p1 =	por !p1, !p1  }
0x8e: {  	s17 =	simm.s32 $0xF40;
	s22 =	sadd.s32 s0, s19;
	(xrf0) =	vadd.scan.msk.s32 $0xffff, v10;
	v12 =	vpsel p0, v14, v12;
	v14, _, _ =	vpop (xrf0);
	s20 =	simm.s32 @p1 $0x1  }
0x8f: {  	v11 =	vld [tilespmem:s23+$0xFFFFFFF0];
	s19 =	simm.s32 $0x0;
	p3 =	sgt.s32 s22, $0xFF;
	(v2sf) =	vpush v14, $0xF;
	v14, _, _ =	vpop (xrf0);
	p4 =	seq.s32 s20, $0x0  }
0x90: {  	s31 =	spop (v2sf);
	s19 =	smov.u32 @p0 s19;
	(v2sf) =	vpush v14, $0xF;
	p2 =	por !p3, !p4  }
0x91: {  	[tilespmem:s23+$0xFFFFFFF0] =	vst v1;
	s16 =	smov.u32 @p0 s21;
	s21 =	sadd.s32 s22, s31;
	p2 =	por !p2, !p2  }
0x92: {  	[tilespmem:s23+$0x0] =	vst v1;
	p6 =	sgt.s32 s21, $0xFF;
	s16 =	smov.u32 @p1 s26;
	s20 =	simm.s32 @p2 $0x1  }
0x93: {  	v13 =	vld [tilespmem:s23+$0xFFFFFFE0];
	[tilespmem:s23+$0xFFFFFFE0] =	vst v1;
	s19 =	smov.u32 @p1 s3;
	v17 =	vpsel p1, v15, v12;
	s16 =	smov.u32 @p2 s25;
	p5 =	seq.s32 s20, $0x0  }
0x94: {  	(xrf0) =	vadd.scan.msk.s32 $0xffff, v11;
	v12 =	vld [tilespmem:s23+$0xFFFFFFD0];
	[tilespmem:s23+$0xFFFFFFD0] =	vst v1;
	v15, _, _ =	vpop (xrf0);
	s19 =	smov.u32 @p2 s0;
	s0 =	spop (v2sf);
	v14 =	vpsel p2, v16, v17;
	p1 =	por !p6, !p5  }
.LBB2_7:
0x95: {  	p0 =	sne.s32 s24, $0x0  }
0x96: {  	(v2sf) =	vpush v15, $0xF;
	s0 =	sadd.s32 s21, s0;
	p1 =	por !p1, !p1;
	s3 =	smov.u32 s24  }
0x97: {  	p2 =	sgt.s32 s0, $0xFF;
	v14 =	vpsel p1, v5, v14;
	s16 =	smov.u32 @p1 s15;
	s20 =	simm.s32 @p1 $0x1;
	v5 =	vmov v9  }
0x98: {  	s24 =	sadd.s32 $0xFFFFFFC0, s24;
	s19 =	smov.u32 @p1 s22;
	(xrf0) =	vadd.scan.msk.s32 $0xffff, v13;
	p3 =	seq.s32 s20, $0x0;
	v16 =	vmov v13  }
0x99: {  	s23 =	sadd.s32 $0xFFFFFFC0, s23;
	s15 =	smov.u32 s18;
	(xrf0) =	vadd.scan.msk.s32 $0xffff, v12;
	p1 =	por !p3, !p2;
	v9 =	vmov v12  }
0x9a: {  	s18 =	smov.u32 s17;
	v12 =	vld [tilespmem:s23+$0x0];
	[tilespmem:s23+$0xFFFFFFF0] =	vst v1;
	v13, _, _ =	vpop (xrf0);
	p1 =	por !p1, !p1;
	s22 =	spop (v2sf)  }
0x9b: {  	s17 =	smov.u32 s3;
	[tilespmem:s23+$0x0] =	vst v1;
	(v2sf) =	vpush v13, $0xF;
	v14 =	vpsel p1, v6, v14;
	s20 =	simm.s32 @p1 $0x1;
	s25 =	sadd.s32 s0, s22;
	v6 =	vmov v10  }
0x9c: {  	s3 =	sadd.s32 $0x10, s15;
	p2 =	seq.s32 s20, $0x0;
	p3 =	sgt.s32 s25, $0xFF  }
0x9d: {  	s26 =	sadd.s32 $0x30, s15;
	s28 =	sadd.s32 $0x20, s15;
	p2 =	por !p3, !p2  }
0x9e: {  	s19 =	smov.u32 @p1 s21;
	v10, _, _ =	vpop (xrf0);
	p2 =	por !p2, !p2;
	s21 =	spop (v2sf)  }
0x9f: {  	v15 =	vld [tilespmem:s23+$0xFFFFFFF0];
	(xrf0) =	vadd.scan.msk.s32 $0xffff, v12;
	(v2sf) =	vpush v10, $0xF;
	v13, _, _ =	vpop (xrf0);
	s20 =	simm.s32 @p2 $0x1;
	s22 =	sadd.s32 s25, s21;
	s21 =	spop (v2sf);
	v10 =	vmov v12  }
0xa0: {  	(v2sf) =	vpush v13, $0xF;
	p3 =	seq.s32 s20, $0x0;
	p4 =	sgt.s32 s22, $0xFF;
	s21 =	sadd.s32 s22, s21  }
.Ltmp4:
0xa1: {  	s16 =	smov.u32 @p1 s26;
	p1 =	por !p4, !p3;
	(pc) =	sbr.rel @p0 .LBB2_7-.Ltmp4, $4  }
0xa2: {  	s16 =	smov.u32 @p2 s28;
	s19 =	smov.u32 @p2 s0;
	p1 =	por !p1, !p1  }
0xa3: {  	v13 =	vld [tilespmem:s23+$0xFFFFFFE0];
	s16 =	smov.u32 @p1 s3;
	s20 =	simm.s32 @p1 $0x1  }
0xa4: {  	v14 =	vpsel p2, v7, v14;
	v7 =	vmovc v11;
	p3 =	sgt.s32 s21, $0xFF;
	s19 =	smov.u32 @p1 s25;
	[tilespmem:s23+$0xFFFFFFE0] =	vst v1;
	v12 =	vld [tilespmem:s23+$0xFFFFFFD0];
	(xrf0) =	vadd.scan.msk.s32 $0xffff, v15;
	p2 =	seq.s32 s20, $0x0;
	v11 =	vmov v15  }
0xa5: {  	v14 =	vpsel p1, v8, v14;
	v8 =	vmov v16;
	[tilespmem:s23+$0xFFFFFFD0] =	vst v1;
	v15, _, _ =	vpop (xrf0);
	s0 =	spop (v2sf);
	p1 =	por !p3, !p2  }
0xa6: {  	p0 =	por !p1, !p1  }
0xa7: {  	(v2sf) =	vpush v15, $0xF;
	s23 =	sadd.s32 s21, s0;
	s20 =	simm.s32 @p0 $0x1  }
0xa8: {  	s1 =	simm.s32 @!p0 $0x0;
	p1 =	sgt.s32 s23, $0xFF;
	(xrf0) =	vadd.scan.msk.s32 $0xffff, v13;
	p2 =	seq.s32 s20, $0x0  }
0xa9: {  	s1 =	simm.s32 @p0 $0x1;
	p0 =	por !p2, !p1  }
0xaa: {  	v15, _, _ =	vpop (xrf0);
	p4 =	por !p0, !p0;
	s28 =	spop (v2sf)  }
0xab: {  	(v2sf) =	vpush v15, $0xF;
	s20 =	simm.s32 @p4 $0x1;
	s0 =	sadd.s32 s23, s28  }
0xac: {  	p3 =	seq.s32 s20, $0x0;
	p5 =	sgt.s32 s0, $0xFF  }
0xad: {  	(xrf0) =	vadd.scan.msk.s32 $0xffff, v12;
	p0 =	por !p5, !p3  }
0xae: {  	[smem:$0x7F9] =	sst s1;
	v15, _, _ =	vpop (xrf0);
	p0 =	por !p0, !p0;
	s3 =	spop (v2sf)  }
0xaf: {  	s1 =	simm.s32 @!p0 $0x0;
	(v2sf) =	vpush v15, $0xF;
	s20 =	simm.s32 @p0 $0x1;
	s3 =	sadd.s32 s0, s3  }
0xb0: {  	s1 =	simm.s32 @p0 $0x1;
	p0 =	seq.s32 s20, $0x0;
	p6 =	sgt.s32 s3, $0xFF  }
0xb1: {  	p0 =	por !p6, !p0  }
0xb2: {  	s24 =	spop (v2sf);
	p2 =	por !p0, !p0  }
0xb3: {  	v15, _, _ =	vpop (xrf0);
	s24 =	sadd.s32 s3, s24;
	s20 =	simm.s32 @p2 $0x1  }
0xb4: {  	(v2sf) =	vpush v15, $0xF;
	p3 =	sgt.s32 s24, $0xFF;
	p1 =	seq.s32 s20, $0x0  }
0xb5: {  	[smem:$0x7FC] =	sst s1;
	s1 =	simm.s32 @!p2 $0x0;
	p0 =	por !p3, !p1  }
0xb6: {  	s1 =	simm.s32 @p2 $0x1;
	s25 =	spop (v2sf);
	p0 =	por !p0, !p0  }
0xb7: {  	[smem:$0x7FA] =	sst s1;
	s25 =	sadd.s32 s24, s25;
	s20 =	simm.s32 @p0 $0x1  }
0xb8: {  	s1 =	simm.s32 @!p0 $0x0;
	p5 =	sgt.s32 s25, $0xFF;
	p6 =	seq.s32 s20, $0x0  }
0xb9: {  	s1 =	simm.s32 @p0 $0x1;
	p0 =	por !p6, !p5  }
0xba: {  	p5 =	por !p0, !p0;
	s26 =	spop (v2sf)  }
0xbb: {  	s20 =	simm.s32 @p5 $0x1;
	s26 =	sadd.s32 s25, s26  }
0xbc: {  	s29 =	sld [smem:$0x7F9];
	p3 =	seq.s32 s20, $0x0;
	p6 =	sgt.s32 s26, $0xFF  }
0xbd: {  	s30 =	sld [smem:$0x7FC];
	p0 =	por !p6, !p3  }
0xbe: {  	[smem:$0x7FD] =	sst s1;
	p6 =	por !p0, !p0;
	s28 =	spop (v2sf)  }
0xbf: {  	p3 =	seq.s32 s29, $0x1;
	s20 =	simm.s32 @p6 $0x1;
	s28 =	sadd.s32 s26, s28  }
0xc0: {  	s31 =	sld [smem:$0x7FD];
	v5 =	vpsel p3, v5, v14;
	p1 =	seq.s32 s20, $0x0;
	p3 =	sgt.s32 s28, $0xFF  }
0xc1: {  	v5 =	vpsel p4, v6, v5;
	p0 =	por !p3, !p1;
	p1 =	seq.s32 s30, $0x1  }
0xc2: {  	s2 =	sld [smem:$0x7F9];
	v5 =	vpsel p1, v7, v5  }
0xc3: {  	s29 =	spop (v2sf);
	p3 =	por !p0, !p0;
	p0 =	seq.s32 s31, $0x1;
	v5 =	vpsel p2, v8, v5  }
0xc4: {  	s1 =	simm.s32 @!p5 $0x0;
	s29 =	sadd.s32 s28, s29;
	s20 =	simm.s32 @p3 $0x1;
	v5 =	vpsel p0, v9, v5  }
0xc5: {  	s1 =	simm.s32 @p5 $0x1;
	p2 =	sgt.s32 s29, $0xFF;
	v5 =	vpsel p5, v10, v5;
	p5 =	seq.s32 s20, $0x0  }
0xc6: {  	p2 =	por !p2, !p5;
	v5 =	vpsel p6, v11, v5  }
0xc7: {  	v5 =	vpsel p3, v13, v5;
	p5 =	por !p2, !p2  }
0xc8: {  	s6 =	sld [smem:$0x7FA];
	p2 =	seq.s32 s2, $0x1;
	v5 =	vpsel p5, v12, v5  }
0xc9: {  	[smem:$0x7FB] =	sst s1;
	s19 =	smov.u32 @p2 s22;
	v6 =	vperm.xlane v5, v4  }
0xca: {  	s12 =	sld [smem:$0x7FB];
	s19 =	smov.u32 @p4 s21  }
0xcb: {  	s19 =	smov.u32 @p1 s23;
	p1 =	seq.s32 s6, $0x1;
	(xrf0) =	vadd.scan.msk.s32 $0xffff, v6  }
0xcc: {  	s19 =	smov.u32 @p1 s0  }
0xcd: {  	s19 =	smov.u32 @p0 s3;
	p0 =	seq.s32 s12, $0x1  }
0xce: {  	s19 =	smov.u32 @p0 s24  }
0xcf: {  	s19 =	smov.u32 @p6 s25  }
0xd0: {  	s19 =	smov.u32 @p3 s26  }
0xd1: {  	s19 =	smov.u32 @p5 s28;
	v5, _, _ =	vpop (xrf0)  }
0xd2: {  	v5 =	vadd.s32 s19, v5  }
0xd3: {  	vm0 =	vgt.s32 v5, $0xFF  }
0xd4: {  	v5 =	vmpcnt.ones.xlane vm0;
	_ =	sdelay $0x1  }
0xd5: {  	v5 =	vxor.u32 $0x80000000, v5  }
0xd6: {  	(xrf0) =	vmax.scan.msk.u32 $0xffff, v5;
	_ =	sdelay $0x5  }
0xd7: {  	v5, _, _ =	vpop (xrf0)  }
0xd8: {  	(v2sf) =	vpush v5, $0xF;
	_ =	sdelay $0x4  }
0xd9: {  	s16 =	smov.u32 @p2 s15;
	s15 =	sld [smem:$0x7FC];
	_ =	sdelay $0x1  }
0xda: {  	s21 =	sld [smem:$0x7FD];
	s0 =	sadd.s32 $0x30, s18  }
0xdb: {  	p2 =	seq.s32 s15, $0x1;
	s16 =	smov.u32 @p4 s0;
	s0 =	sadd.s32 $0x20, s18  }
0xdc: {  	s20 =	simm.s32 $0x20;
	s16 =	smov.u32 @p2 s0;
	s0 =	sadd.s32 $0x10, s18  }
0xdd: {  	s16 =	smov.u32 @p1 s0;
	p1 =	seq.s32 s21, $0x1;
	v5 =	vld [tilespmem:s20+$0xFFFFFFE0]  }
0xde: {  	v7 =	vld [tilespmem:s20+$0xFFFFFFF0];
	s0 =	sadd.s32 $0x30, s17;
	s16 =	smov.u32 @p1 s18  }
0xdf: {  	v8 =	vld [tilespmem:s20+$0x0];
	s15 =	sadd.s32 $0x20, s17;
	s16 =	smov.u32 @p0 s0  }
0xe0: {  	s0 =	sadd.s32 $0x10, s17;
	s16 =	smov.u32 @p6 s15  }
0xe1: {  	s16 =	smov.u32 @p3 s0  }
0xe2: {  	s16 =	smov.u32 @p5 s17;
	v9 =	vshra.s32 v5, $0x1F;
	s22 =	spop (v2sf)  }
0xe3: {  	v10 =	vld [tilespmem:s20+$0x10];
	v9 =	vand.u32 $0x7FFFFFFF, v9;
	s0 =	sadd.s32 s22, s16  }
0xe4: {  	v13 =	vshra.s32 v8, $0x1F;
	v12 =	vxor.u32 v5, v9;
	v9 =	vshra.s32 v7, $0x1F;
	s20 =	sadd.s32 $0x7FFFF7FF, s0  }
0xe5: {  	v11 =	vshra.s32 v12, $0x14;
	v9 =	vand.u32 $0x7FFFFFFF, v9;
	v5 =	vmov s20  }
0xe6: {  	v18 =	vxor.u32 v7, v9;
	v7 =	vand.u32 $0x7FFFFFFF, v13;
	vm1 =	vge.s32 v11, v5  }
0xe7: {  	v22 =	vxor.u32 v8, v7;
	v9 =	vmpcnt.ones.xlane vm1  }
0xe8: {  	v13 =	vshra.s32 v10, $0x1F;
	v7 =	vshra.s32 v22, $0x14;
	v11 =	vshra.s32 v18, $0x14  }
0xe9: {  	s23 =	simm.s32 $0x60;
	vm3 =	vge.s32 v11, v5;
	v11 =	vand.u32 $0x7FFFFFFF, v13;
	v8 =	vxor.u32 $0x80000000, v9  }
0xea: {  	vm2 =	vge.s32 v7, v5;
	v7 =	vxor.u32 v10, v11;
	v9 =	vmpcnt.ones.xlane vm3;
	(xrf0) =	vmax.scan.msk.u32 $0xffff, v8;
	v8 =	vld [tilespmem:s23+$0xFFFFFFE0]  }
0xeb: {  	v11 =	vshra.s32 v7, $0x14  }
0xec: {  	v10 =	vmpcnt.ones.xlane vm2;
	vm5 =	vge.s32 v11, v5;
	v9 =	vxor.u32 $0x80000000, v9  }
0xed: {  	v13 =	vld [tilespmem:s23+$0x0];
	v11 =	vmpcnt.ones.xlane vm5;
	(xrf0) =	vmax.scan.msk.u32 $0xffff, v9  }
0xee: {  	v10 =	vxor.u32 $0x80000000, v10;
	v9 =	vld [tilespmem:s23+$0xFFFFFFF0]  }
0xef: {  	(xrf0) =	vmax.scan.msk.u32 $0xffff, v10;
	v10 =	vxor.u32 $0x80000000, v11;
	v11 =	vshra.s32 v8, $0x1F  }
0xf0: {  	s25 =	simm.s32 $0x10;
	v14, _, _ =	vpop (xrf0);
	(xrf0) =	vmax.scan.msk.u32 $0xffff, v10;
	v10 =	vand.u32 $0x7FFFFFFF, v11  }
0xf1: {  	v21 =	vor.u32 s25, v0  }
0xf2: {  	v16 =	vld [tilespmem:s23+$0x10];
	vm7 =	vmmov vm1;
	v15 =	vshra.s32 v13, $0x1F;
	(v2sf) =	vpush v14, $0xF  }
0xf3: {  	v11 =	vxor.u32 v8, v10;
	v8 =	vshra.s32 v9, $0x1F;
	v14 =	vand.u32 $0x7FFFFFFF, v15;
	v10, _, _ =	vpop (xrf0)  }
0xf4: {  	v15 =	vshra.s32 v11, $0x14;
	v8 =	vand.u32 $0x7FFFFFFF, v8;
	(v2sf) =	vpush v10, $0xF  }
0xf5: {  	s24 =	simm.s32 $0xA0;
	vm8 =	vge.s32 v15, v5;
	v10 =	vxor.u32 v9, v8;
	v8 =	vxor.u32 v13, v14;
	v9, _, _ =	vpop (xrf0)  }
0xf6: {  	v19 =	vld [tilespmem:s24+$0x0];
	v13 =	vmpcnt.ones.xlane vm8;
	v14 =	vshra.s32 v10, $0x14;
	(v2sf) =	vpush v9, $0xF  }
0xf7: {  	v9 =	vshra.s32 v16, $0x1F;
	vm6 =	vge.s32 v14, v5;
	v14 =	vshra.s32 v8, $0x14  }
0xf8: {  	v9 =	vand.u32 $0x7FFFFFFF, v9;
	v15, _, _ =	vpop (xrf0);
	v13 =	vxor.u32 $0x80000000, v13;
	v17 =	vmpcnt.ones.xlane vm6  }
0xf9: {  	(v2sf) =	vpush v15, $0xF;
	vm1 =	vge.s32 v14, v5;
	v9 =	vxor.u32 v16, v9;
	(xrf0) =	vmax.scan.msk.u32 $0xffff, v13;
	v13 =	vld [tilespmem:s24+$0xFFFFFFE0]  }
0xfa: {  	v16 =	vmpcnt.ones.xlane vm1;
	v14 =	vxor.u32 $0x80000000, v17;
	v17 =	vshra.s32 v9, $0x14  }
0xfb: {  	v26 =	vshra.s32 v19, $0x1F;
	vm4 =	vmmov vm2;
	v15 =	vld [tilespmem:s24+$0x10];
	vm2 =	vge.s32 v17, v5  }
0xfc: {  	s16 =	simm.s32 $0x0;
	vm3 =	vmmov vm3;
	(xrf0) =	vmax.scan.msk.u32 $0xffff, v14;
	v14 =	vld [tilespmem:s24+$0xFFFFFFF0];
	v16 =	vxor.u32 $0x80000000, v16;
	v17 =	vmpcnt.ones.xlane vm2  }
0xfd: {  	v61 =	vand.u32 $0x7FFFFFFF, v26;
	v20 =	vor.u32 s16, v0;
	vm9 =	vmmov vm3;
	(xrf0) =	vmax.scan.msk.u32 $0xffff, v16  }
0xfe: {  	vm3 =	vmmov vm6;
	v23 =	vshra.s32 v13, $0x1F;
	v16 =	vxor.u32 $0x80000000, v17  }
0xff: {  	s26 =	simm.s32 $0x20;
	vm6 =	vmmov vm5;
	vm5 =	vmmov vm8;
	v25, _, _ =	vpop (xrf0);
	v23 =	vand.u32 $0x7FFFFFFF, v23;
	(xrf0) =	vmax.scan.msk.u32 $0xffff, v16  }
0x100: {  	v24 =	vshra.s32 v15, $0x1F;
	v17 =	vor.u32 s26, v0;
	v13 =	vxor.u32 v13, v23  }
0x101: {  	s28 =	simm.s32 $0x30;
	[tilespmem:s16+$0x3000] =	vst.msk vm7, v12;
	(v2sf) =	vpush v25, $0xF;
	v23 =	vshra.s32 v14, $0x1F;
	v12 =	vshra.s32 v13, $0x14;
	s29 =	spop (v2sf)  }
0x102: {  	[tilespmem:s16+$0x5080] =	vst.msk vm7, v20;
	v16 =	vor.u32 s28, v0;
	v62, _, _ =	vpop (xrf0);
	v23 =	vand.u32 $0x7FFFFFFF, v23;
	vm7 =	vge.s32 v12, v5;
	s0 =	sadd.s32 $0x0, s29  }
0x103: {  	v12 =	vxor.u32 v19, v61;
	(v2sf) =	vpush v62, $0xF;
	v14 =	vxor.u32 v14, v23;
	v19, _, _ =	vpop (xrf0);
	s0 =	sadd.s32 $0x80000000, s0;
	s30 =	spop (v2sf)  }
0x104: {  	v23 =	vmpcnt.ones.xlane vm7;
	v20 =	vshra.s32 v14, $0x14;
	(v2sf) =	vpush v19, $0xF;
	[tilespmem:s0+$0x3000] =	vst.msk vm9, v18;
	s3 =	sadd.s32 s30, s0  }
0x105: {  	vm8 =	vge.s32 v20, v5;
	v18 =	vshra.s32 v12, $0x14;
	v20 =	vand.u32 $0x7FFFFFFF, v24;
	v63, _, _ =	vpop (xrf0);
	[tilespmem:s0+$0x5080] =	vst.msk vm9, v21;
	s31 =	spop (v2sf);
	s0 =	sadd.s32 $0x80000000, s3  }
0x106: {  	s15 =	simm.s32 $0x8;
	s17 =	simm.s32 $0xE0;
	v21 =	vxor.u32 $0x80000000, v23;
	v19 =	vmpcnt.ones.xlane vm8;
	(v2sf) =	vpush v63, $0xF;
	[tilespmem:s0+$0x3000] =	vst.msk vm4, v22;
	s3 =	sadd.s32 s31, s0  }
.LBB2_9:
0x107: {  	v20 =	vxor.u32 v15, v20;
	[tilespmem:s0+$0x5080] =	vst.msk vm4, v17;
	vm4 =	vmmov vm1  }
0x108: {  	v15 =	vld [tilespmem:s17+$0x10];
	(xrf0) =	vmax.scan.msk.u32 $0xffff, v21;
	s0 =	sadd.s32 $0x80000000, s3;
	s3 =	spop (v2sf);
	vm1 =	vge.s32 v18, v5;
	vm9 =	vmmov vm3;
	vm3 =	vmmov vm8  }
0x109: {  	s15 =	sadd.s32 $0x4, s15;
	v18 =	vld [tilespmem:s17+$0xFFFFFFE0];
	v17 =	vxor.u32 $0x80000000, v19;
	v19 =	vmpcnt.ones.xlane vm1;
	v21 =	vshra.s32 v20, $0x14;
	[tilespmem:s0+$0x3000] =	vst.msk vm6, v7;
	s3 =	sadd.s32 s3, s0;
	v7 =	vmovc v9;
	v9 =	vmovc v20  }
0x10a: {  	s16 =	sadd.s32 $0x40, s16;
	p0 =	slt.u32 s15, $0x1FC;
	v20 =	vld [tilespmem:s17+$0x0];
	(xrf0) =	vmax.scan.msk.u32 $0xffff, v17;
	[tilespmem:s0+$0x5080] =	vst.msk vm6, v16;
	s0 =	sadd.s32 $0x80000000, s3;
	vm6 =	vmmov vm2;
	vm2 =	vge.s32 v21, v5  }
0x10b: {  	v21 =	vld [tilespmem:s17+$0xFFFFFFF0];
	v16 =	vxor.u32 $0x80000000, v19;
	v17 =	vmpcnt.ones.xlane vm2;
	[tilespmem:s0+$0x3000] =	vst.msk vm5, v11;
	v19 =	vor.u32 s16, v0;
	v11 =	vmovc v13  }
0x10c: {  	s18 =	sadd.s32 $0x20, s16;
	s3 =	sadd.s32 $0x10, s16;
	(xrf0) =	vmax.scan.msk.u32 $0xffff, v16;
	[tilespmem:s0+$0x5080] =	vst.msk vm5, v19;
	vm5 =	vmmov vm7  }
0x10d: {  	v19 =	vor.u32 s3, v0;
	s3 =	sadd.s32 $0x30, s16;
	v13 =	vxor.u32 $0x80000000, v17;
	v17 =	vor.u32 s18, v0  }
0x10e: {  	v23 =	vshra.s32 v15, $0x1F;
	v16 =	vor.u32 s3, v0;
	v22 =	vshra.s32 v18, $0x1F;
	v24, _, _ =	vpop (xrf0);
	(xrf0) =	vmax.scan.msk.u32 $0xffff, v13  }
0x10f: {  	v13 =	vand.u32 $0x7FFFFFFF, v22;
	v22 =	vshra.s32 v20, $0x1F;
	(v2sf) =	vpush v24, $0xF  }
0x110: {  	v13 =	vxor.u32 v18, v13;
	v18 =	vshra.s32 v21, $0x1F;
	v22 =	vand.u32 $0x7FFFFFFF, v22;
	v24, _, _ =	vpop (xrf0);
	s3 =	spop (v2sf)  }
.Ltmp5:
0x111: {  	v25 =	vshra.s32 v13, $0x14;
	v18 =	vand.u32 $0x7FFFFFFF, v18;
	(v2sf) =	vpush v24, $0xF;
	s0 =	sadd.s32 s3, s0;
	(pc) =	sbr.rel @p0 .LBB2_9-.Ltmp5, $4  }
0x112: {  	v22 =	vxor.u32 v20, v22;
	vm7 =	vge.s32 v25, v5;
	v18 =	vxor.u32 v21, v18;
	v20, _, _ =	vpop (xrf0);
	s0 =	sadd.s32 $0x80000000, s0;
	s3 =	spop (v2sf)  }
0x113: {  	v21 =	vmpcnt.ones.xlane vm7;
	v24 =	vshra.s32 v18, $0x14;
	(v2sf) =	vpush v20, $0xF;
	[tilespmem:s0+$0x3000] =	vst.msk vm9, v10;
	s3 =	sadd.s32 s3, s0;
	v10 =	vmovc v14;
	v14 =	vmovc v18  }
0x114: {  	v18 =	vshra.s32 v22, $0x14;
	v20 =	vand.u32 $0x7FFFFFFF, v23;
	vm8 =	vge.s32 v24, v5;
	v23, _, _ =	vpop (xrf0);
	[tilespmem:s0+$0x5080] =	vst.msk vm9, v19;
	s0 =	sadd.s32 $0x80000000, s3;
	s3 =	spop (v2sf)  }
0x115: {  	s17 =	sadd.s32 $0x40, s17;
	v21 =	vxor.u32 $0x80000000, v21;
	v19 =	vmpcnt.ones.xlane vm8;
	(v2sf) =	vpush v23, $0xF;
	[tilespmem:s0+$0x3000] =	vst.msk vm4, v8;
	s3 =	sadd.s32 s3, s0;
	v8 =	vmovc v12;
	v12 =	vmovc v22  }
0x116: {  	vm10 =	vge.s32 v18, v5;
	v15 =	vxor.u32 v15, v20;
	(xrf0) =	vmax.scan.msk.u32 $0xffff, v21  }
0x117: {  	v55 =	vxor.u32 $0x80000000, v19;
	v56 =	vmpcnt.ones.xlane vm10;
	v20 =	vshra.s32 v15, $0x14  }
0x118: {  	vm9 =	vge.s32 v20, v5;
	(xrf0) =	vmax.scan.msk.u32 $0xffff, v55  }
0x119: {  	v57 =	vxor.u32 $0x80000000, v56;
	v58 =	vmpcnt.ones.xlane vm9  }
0x11a: {  	(xrf0) =	vmax.scan.msk.u32 $0xffff, v57  }
0x11b: {  	v59 =	vxor.u32 $0x80000000, v58  }
0x11c: {  	v60, _, _ =	vpop (xrf0);
	(xrf0) =	vmax.scan.msk.u32 $0xffff, v59  }
0x11d: {  	(v2sf) =	vpush v60, $0xF  }
0x11e: {  	v61, _, _ =	vpop (xrf0)  }
0x11f: {  	(v2sf) =	vpush v61, $0xF  }
0x120: {  	v62, _, _ =	vpop (xrf0)  }
0x121: {  	(v2sf) =	vpush v62, $0xF  }
0x122: {  	s3 =	sadd.s32 $0x80000000, s3;
	s15 =	spop (v2sf);
	v63, _, _ =	vpop (xrf0)  }
0x123: {  	s15 =	sadd.s32 s15, s3;
	(v2sf) =	vpush v63, $0xF  }
0x124: {  	s18 =	sadd.s32 $0x80000000, s15;
	s17 =	spop (v2sf)  }
0x125: {  	s15 =	sadd.s32 s17, s18  }
0x126: {  	s24 =	spop (v2sf);
	s21 =	sadd.s32 $0x80000000, s15  }
0x127: {  	s15 =	sadd.s32 s24, s21  }
0x128: {  	s25 =	spop (v2sf);
	s22 =	sadd.s32 $0x80000000, s15  }
0x129: {  	v6 =	vsel vm0, $0x0, v6;
	s15 =	sadd.s32 s25, s22  }
0x12a: {  	(xrf0) =	vadd.scan.msk.s32 $0xffff, v6;
	s17 =	sadd.s32 $0x80000000, s15;
	s26 =	spop (v2sf)  }
0x12b: {  	[tilespmem:s0+$0x5080] =	vst.msk vm4, v17;
	s28 =	sadd.s32 s26, s17  }
0x12c: {  	[tilespmem:s3+$0x3000] =	vst.msk vm6, v7;
	s15 =	sadd.s32 $0x80000000, s28;
	s0 =	spop (v2sf)  }
0x12d: {  	s29 =	sadd.s32 $0x40, s16;
	[tilespmem:s3+$0x5080] =	vst.msk vm6, v16;
	s30 =	sadd.s32 s0, s15  }
0x12e: {  	v7 =	vor.u32 s29, v0;
	[tilespmem:s18+$0x3000] =	vst.msk vm5, v11;
	s23 =	sadd.s32 $0x80000000, s30;
	s24 =	spop (v2sf)  }
0x12f: {  	vm6 =	vmmov vm3;
	[tilespmem:s18+$0x5080] =	vst.msk vm5, v7;
	s1 =	sadd.s32 s24, s23  }
0x130: {  	vm1 =	vmmov vm1;
	s31 =	sadd.s32 $0x10, s29;
	[tilespmem:s21+$0x3000] =	vst.msk vm6, v10;
	v6, _, _ =	vpop (xrf0);
	s18 =	sadd.s32 $0x80000000, s1;
	s25 =	spop (v2sf)  }
0x131: {  	[tilespmem:s22+$0x3000] =	vst.msk vm1, v8;
	(v2sf) =	vpush v6, $0xF;
	v6 =	vor.u32 s31, v0;
	s6 =	sadd.s32 s25, s18  }
0x132: {  	vm11 =	vmmov vm2;
	s2 =	sadd.s32 $0x20, s29;
	[tilespmem:s21+$0x5080] =	vst.msk vm6, v6;
	s21 =	sadd.s32 $0x80000000, s6;
	s16 =	spop (v2sf)  }
0x133: {  	s26 =	sadd.s32 $0x30, s29;
	[tilespmem:s17+$0x3000] =	vst.msk vm11, v9;
	v6 =	vor.u32 s2, v0;
	s12 =	sadd.s32 s16, s21  }
0x134: {  	vm12 =	vmmov vm8;
	s3 =	sadd.s32 $0x40, s29;
	[tilespmem:s22+$0x5080] =	vst.msk vm1, v6;
	v6 =	vor.u32 s26, v0;
	s22 =	sadd.s32 $0x80000000, s12  }
0x135: {  	s28 =	sadd.s32 $0x10, s3;
	vm1 =	vmmov vm12;
	[tilespmem:s17+$0x5080] =	vst.msk vm11, v6;
	s22 =	sadd.s32 $0xF, s22  }
0x136: {  	s29 =	sadd.s32 $0x20, s3;
	v6 =	vor.u32 s28, v0;
	[tilespmem:s23+$0x3000] =	vst.msk vm1, v14;
	s30 =	sand.u32 $0xF, s22  }
0x137: {  	vm13 =	vmmov vm10;
	[tilespmem:s23+$0x5080] =	vst.msk vm1, v6;
	s31 =	sshra.s32 s22, $0x1F;
	p1 =	slt.s32 s22, $0x1;
	p0 =	sne.s32 s30, $0x0  }
0x138: {  	v6 =	vor.u32 s29, v0;
	[tilespmem:s18+$0x3000] =	vst.msk vm13, v12;
	s17 =	sshrl.u32 s31, $0x1C;
	p0 =	por !p1, !p0  }
0x139: {  	[tilespmem:s18+$0x5080] =	vst.msk vm13, v6;
	s18 =	simm.s32 $0x1;
	s17 =	sadd.s32 s17, s22;
	p0 =	por !p0, !p0  }
0x13a: {  	s17 =	sshra.s32 s17, $0x4;
	s18 =	simm.s32 @!p0 $0x0  }
0x13b: {  	s17 =	ssub.s32 s17, s18  }
0x13c: {  	p0 =	slt.s32 s17, $0x1  }
.Ltmp6:
0x13d: {  	vm14 =	vmmov vm7;
	(pc) =	sbr.rel @p0 .LBB2_18-.Ltmp6, $4  }
0x13e: {  	[tilespmem:s15+$0x3000] =	vst.msk vm14, v13;
	v6 =	vor.u32 s3, v0  }
0x13f: {  	vm15 =	vmmov vm9;
	s3 =	sadd.s32 $0x30, s3;
	[tilespmem:s15+$0x5080] =	vst.msk vm14, v6  }
0x140: {  	s0 =	sadd.s32 s24, s0;
	v6 =	vor.u32 s3, v0;
	[tilespmem:s21+$0x3000] =	vst.msk vm15, v15  }
0x141: {  	[tilespmem:s21+$0x5080] =	vst.msk vm15, v6;
	s21 =	spop (v2sf);
	s18 =	sadd.s32 s25, s0  }
0x142: {  	s3 =	simm.s32 $0x3000  }
0x143: {  	p1 =	seq.s32 s17, $0x1;
	v10 =	vld [tilespmem:s3+$0x0]  }
.Ltmp7:
0x144: {  	_ = 	snop;
	(pc) =	sbr.rel @p1 .LBB2_12-.Ltmp7, $4  }
0x145: {  	_ = 	snop  }
0x146: {  	s0 =	sadd.s32 s16, s18  }
0x147: {  	s0 =	sadd.s32 s15, s0  }
0x148: {  	s22 =	simm.s32 $0x3010;
	p0 =	por $0x0, $0x0;
	s3 =	sadd.s32 $0xFFFFFFFF, s17;
	v7 =	vmov s0;
	v8 =	vshra.s32 v10, $0x14  }
0x149: {  	v9 =	vld [tilespmem:s22+$0x0];
	vm0 =	vgt.s32 v7, v0;
	vm1 =	veq.s32 v8, v5;
	p1 =	seq.s32 s3, $0x1  }
.Ltmp8:
0x14a: {  	v6 =	vshrl.u32 v10, $0xC;
	vm0 =	vmand vm0, vm1;
	(pc) =	sbr.rel @p1 .LBB2_14-.Ltmp8, $3  }
0x14b: {  	v6 =	vand.u32 $0xFF, v6;
	_ =	sdelay $0x1  }
0x14c: {  	s0 =	sadd.s32 $0xFFFFFFF0, s0  }
0x14d: {  	s3 =	sadd.s32 $0xFFFFFFFF, s3;
	s22 =	simm.s32 $0x3020;
	p0 =	por $0x1, $0x1;
	v7 =	vmov s0;
	v8 =	vshra.s32 v9, $0x14  }
.LBB2_15:
0x14e: {  	v10 =	vld [tilespmem:s22+$0x0];
	p1 =	seq.s32 s3, $0x1;
	s3 =	sadd.s32 $0xFFFFFFFF, s3;
	vm1 =	vgt.s32 v7, v0;
	vm2 =	veq.s32 v8, v5  }
.Ltmp9:
0x14f: {  	v7 =	vshrl.u32 v9, $0xC;
	[tilespmem:v6+s10+$0x0] =	vst.idx.add.s32.msk vm0, v3;
	vm0 =	vmand vm1, vm2;
	(pc) =	sbr.rel @!p1 .LBB2_15-.Ltmp9, $3  }
0x150: {  	v6 =	vand.u32 $0xFF, v7;
	_ =	sdelay $0x1  }
0x151: {  	s0 =	sadd.s32 $0xFFFFFFF0, s0  }
0x152: {  	s22 =	sadd.s32 $0x10, s22;
	v7 =	vmov s0;
	v8 =	vshra.s32 v10, $0x14;
	v9 =	vmov v10  }
0x153: {  	v10 =	vmov v9  }
.LBB2_17:
0x154: {  	vm1 =	vgt.s32 v7, v0;
	vm2 =	veq.s32 v8, v5  }
0x155: {  	v5 =	vshrl.u32 v10, $0xC;
	vm1 =	vmand vm1, vm2  }
0x156: {  	v5 =	vand.u32 $0xFF, v5;
	_ =	sdelay $0x3  }
0x157: {  	[tilespmem:v6+s10+$0x0] =	vst.idx.add.s32.msk @p0 vm0, v3  }
0x158: {  	[tilespmem:v5+s10+$0x0] =	vst.idx.add.s32.msk vm1, v3  }
.LBB2_18:
0x159: {  	v17 =	vld [tilespmem:$0x20F0]  }
0x15a: {  	v18 =	vld [tilespmem:$0x20E0];
	_ =	sdelay $0x1  }
0x15b: {  	v19 =	vld [tilespmem:$0x20D0]  }
0x15c: {  	v20 =	vld [tilespmem:$0x20C0]  }
0x15d: {  	(xrf0) =	vadd.scan.msk.s32 $0xffff, v17  }
0x15e: {  	(xrf0) =	vadd.scan.msk.s32 $0xffff, v18  }
0x15f: {  	v15 =	vld [tilespmem:$0x20B0]  }
0x160: {  	(xrf0) =	vadd.scan.msk.s32 $0xffff, v19  }
0x161: {  	v7 =	vld [tilespmem:$0x20A0];
	(xrf0) =	vadd.scan.msk.s32 $0xffff, v20;
	_ =	sdelay $0x1  }
0x162: {  	v5 =	vld [tilespmem:$0x2090];
	v6, _, _ =	vpop (xrf0)  }
0x163: {  	(xrf0) =	vadd.scan.msk.s32 $0xffff, v15;
	(v2sf) =	vpush v6, $0xF;
	v6, _, _ =	vpop (xrf0)  }
0x164: {  	v8 =	vld [tilespmem:$0x2080];
	(v2sf) =	vpush v6, $0xF  }
0x165: {  	(xrf0) =	vadd.scan.msk.s32 $0xffff, v7;
	v6, _, _ =	vpop (xrf0)  }
0x166: {  	(v2sf) =	vpush v6, $0xF;
	v6, _, _ =	vpop (xrf0)  }
0x167: {  	(xrf0) =	vadd.scan.msk.s32 $0xffff, v5;
	(v2sf) =	vpush v6, $0xF;
	_ =	sdelay $0x1  }
0x168: {  	(xrf0) =	vadd.scan.msk.s32 $0xffff, v8;
	v6, _, _ =	vpop (xrf0)  }
0x169: {  	(v2sf) =	vpush v6, $0xF  }
0x16a: {  	v10 =	vld [tilespmem:$0x2070];
	v6, _, _ =	vpop (xrf0)  }
0x16b: {  	(v2sf) =	vpush v6, $0xF  }
0x16c: {  	v14 =	vld [tilespmem:$0x2060];
	v9, _, _ =	vpop (xrf0)  }
0x16d: {  	(v2sf) =	vpush v9, $0xF  }
0x16e: {  	v11 =	vld [tilespmem:$0x2050];
	v55, _, _ =	vpop (xrf0)  }
0x16f: {  	(xrf0) =	vadd.scan.msk.s32 $0xffff, v10;
	(v2sf) =	vpush v55, $0xF;
	_ =	sdelay $0x1  }
0x170: {  	(xrf0) =	vadd.scan.msk.s32 $0xffff, v14;
	s22 =	spop (v2sf)  }
0x171: {  	s0 =	sadd.s32 s21, s19;
	v6 =	vld [tilespmem:$0x2040];
	s3 =	spop (v2sf)  }
0x172: {  	s19 =	ssub.s32 $0x100, s0;
	(xrf0) =	vadd.scan.msk.s32 $0xffff, v11;
	s23 =	sadd.s32 s22, s3  }
0x173: {  	p3 =	sge.s32 s22, s19;
	s29 =	spop (v2sf);
	p0 =	sge.s32 s23, s19  }
0x174: {  	v12 =	vld [tilespmem:$0x2030];
	v13, _, _ =	vpop (xrf0);
	s24 =	sadd.s32 s23, s29;
	s30 =	spop (v2sf);
	p0 =	por p3, p0  }
0x175: {  	(v2sf) =	vpush v13, $0xF;
	p1 =	sge.s32 s24, s19;
	p2 =	slt.s32 s24, s19;
	s25 =	sadd.s32 s24, s30  }
0x176: {  	(xrf0) =	vadd.scan.msk.s32 $0xffff, v6;
	v21, _, _ =	vpop (xrf0);
	p2 =	por p2, p0;
	p0 =	por p0, p1;
	p4 =	sge.s32 s25, s19  }
0x177: {  	(v2sf) =	vpush v21, $0xF;
	p5 =	slt.s32 s25, s19;
	s1 =	simm.s32 @!p2 $0x0;
	s31 =	spop (v2sf)  }
0x178: {  	v58, _, _ =	vpop (xrf0);
	s1 =	simm.s32 @p2 $0x1;
	p2 =	por p5, p0;
	p0 =	por p0, p4  }
0x179: {  	(xrf0) =	vadd.scan.msk.s32 $0xffff, v12;
	(v2sf) =	vpush v58, $0xF;
	s26 =	sadd.s32 s25, s31;
	s2 =	spop (v2sf);
	[smem:$0x7F0] =	sst s1  }
0x17a: {  	s1 =	simm.s32 @!p2 $0x0;
	p6 =	sge.s32 s26, s19;
	p5 =	slt.s32 s26, s19  }
0x17b: {  	s28 =	sadd.s32 s26, s2;
	s3 =	spop (v2sf);
	s1 =	simm.s32 @p2 $0x1  }
0x17c: {  	v59, _, _ =	vpop (xrf0);
	p4 =	por p5, p0;
	p0 =	por p0, p6;
	p6 =	sge.s32 s28, s19  }
0x17d: {  	(v2sf) =	vpush v59, $0xF;
	p5 =	slt.s32 s28, s19;
	s29 =	sadd.s32 s28, s3;
	s6 =	spop (v2sf)  }
0x17e: {  	v56 =	vld [tilespmem:$0x2020];
	[smem:$0x7F1] =	sst s1;
	s1 =	simm.s32 @!p4 $0x0;
	p5 =	por p5, p0  }
0x17f: {  	v57 =	vld [tilespmem:$0x2010];
	v60, _, _ =	vpop (xrf0);
	p0 =	por p0, p6;
	p1 =	sge.s32 s29, s19;
	s1 =	simm.s32 @p4 $0x1  }
0x180: {  	v16 =	vld [tilespmem:$0x2000];
	(v2sf) =	vpush v60, $0xF;
	p6 =	slt.s32 s29, s19;
	[smem:$0x7F2] =	sst s1;
	s1 =	simm.s32 @!p5 $0x0  }
0x181: {  	s30 =	sadd.s32 s29, s6;
	p2 =	por p6, p0;
	s1 =	simm.s32 @p5 $0x1  }
0x182: {  	p0 =	por p0, p1;
	[smem:$0x7F3] =	sst s1;
	s1 =	simm.s32 @!p2 $0x0  }
0x183: {  	(xrf0) =	vadd.scan.msk.s32 $0xffff, v56;
	p1 =	sge.s32 s30, s19;
	p6 =	slt.s32 s30, s19;
	s1 =	simm.s32 @p2 $0x1  }
0x184: {  	(xrf0) =	vadd.scan.msk.s32 $0xffff, v57;
	s12 =	spop (v2sf);
	p2 =	por p6, p0;
	p0 =	por p0, p1  }
0x185: {  	(xrf0) =	vadd.scan.msk.s32 $0xffff, v16;
	[smem:$0x7F4] =	sst s1;
	s1 =	simm.s32 @!p2 $0x0;
	s31 =	sadd.s32 s30, s12  }
0x186: {  	s21 =	spop (v2sf);
	s12 =	sld [smem:$0x7F0];
	s1 =	simm.s32 @p2 $0x1  }
0x187: {  	p1 =	sge.s32 s31, s19;
	p6 =	slt.s32 s31, s19;
	s0 =	sadd.s32 s31, s21  }
0x188: {  	s2 =	spop (v2sf);
	p2 =	slt.s32 s23, s19;
	s21 =	sld [smem:$0x7F4]  }
0x189: {  	v61, _, _ =	vpop (xrf0);
	[smem:$0x7EA] =	sst s1;
	p6 =	por p6, p0;
	p0 =	por p0, p1  }
0x18a: {  	v62, _, _ =	vpop (xrf0);
	(v2sf) =	vpush v61, $0xF;
	p1 =	slt.s32 s0, s19;
	s3 =	sadd.s32 s0, s2;
	s1 =	simm.s32 @!p6 $0x0  }
0x18b: {  	(v2sf) =	vpush v62, $0xF;
	v63, _, _ =	vpop (xrf0);
	s2 =	sld [smem:$0x7F1];
	p1 =	por p1, p0;
	s1 =	simm.s32 @p6 $0x1  }
0x18c: {  	(v2sf) =	vpush v63, $0xF;
	s6 =	spop (v2sf);
	[smem:$0x7EB] =	sst s1;
	s1 =	simm.s32 @!p2 $0x0  }
0x18d: {  	v18 =	vpsel p2, $0x0, v18;
	s6 =	sadd.s32 s3, s6;
	s1 =	simm.s32 @p2 $0x1;
	p2 =	sge.s32 s0, s19  }
0x18e: {  	[smem:$0x7EE] =	sst s1;
	s1 =	simm.s32 @!p1 $0x0;
	p0 =	por p0, p2  }
0x18f: {  	v17 =	vpsel p3, v17, v18;
	p2 =	seq.s32 s12, $0x1;
	s12 =	spop (v2sf);
	s1 =	simm.s32 @p1 $0x1  }
0x190: {  	p1 =	slt.s32 s3, s19;
	v17 =	vpsel p2, v17, v19;
	p2 =	sge.s32 s3, s19;
	[smem:$0x7F5] =	sst s1  }
0x191: {  	s1 =	simm.s32 @!p3 $0x0;
	p1 =	por p1, p0;
	p0 =	por p0, p2  }
0x192: {  	p2 =	seq.s32 s2, $0x1;
	s2 =	sld [smem:$0x7EA];
	s1 =	simm.s32 @p3 $0x1  }
0x193: {  	s12 =	sadd.s32 s6, s12;
	v17 =	vpsel p2, v17, v20;
	[smem:$0x7EF] =	sst s1;
	s1 =	simm.s32 @!p1 $0x0  }
0x194: {  	p2 =	slt.s32 s6, s19;
	v15 =	vpsel p4, v17, v15;
	p4 =	sge.s32 s12, s19;
	s1 =	simm.s32 @p1 $0x1  }
0x195: {  	p1 =	por p2, p0;
	p2 =	sge.s32 s6, s19;
	v7 =	vpsel p5, v15, v7;
	p5 =	slt.s32 s12, s19  }
0x196: {  	[smem:$0x7EC] =	sst s1;
	s1 =	simm.s32 @!p1 $0x0;
	p0 =	por p0, p2  }
0x197: {  	s1 =	simm.s32 @p1 $0x1;
	p2 =	por p5, p0;
	p5 =	por p0, p4  }
0x198: {  	p4 =	seq.s32 s21, $0x1;
	[smem:$0x7F6] =	sst s1;
	s1 =	simm.s32 @!p2 $0x0  }
0x199: {  	s21 =	spop (v2sf);
	p1 =	seq.s32 s2, $0x1;
	s1 =	simm.s32 @p2 $0x1  }
0x19a: {  	s21 =	sadd.s32 s12, s21;
	s2 =	spop (v2sf);
	[smem:$0x7ED] =	sst s1  }
0x19b: {  	s1 =	sadd.s32 s21, s2;
	s2 =	spop (v2sf);
	[smem:$0x7E9] =	sst s0  }
0x19c: {  	s0 =	sld [smem:$0x7F5]  }
0x19d: {  	v5 =	vpsel p4, v7, v5  }
0x19e: {  	v5 =	vpsel p1, v5, v8  }
0x19f: {  	v5 =	vpsel p6, v5, v10;
	p6 =	seq.s32 s0, $0x1;
	s0 =	sld [smem:$0x7E9];
	_ =	sdelay $0x2  }
0x1a0: {  	[smem:$0x7E9] =	sst s0  }
0x1a1: {  	s0 =	sld [smem:$0x7EE];
	_ =	sdelay $0x2  }
0x1a2: {  	p0 =	seq.s32 s0, $0x1;
	s0 =	sld [smem:$0x7E9];
	_ =	sdelay $0x2  }
0x1a3: {  	[smem:$0x7E9] =	sst s0  }
0x1a4: {  	s0 =	sld [smem:$0x7EC];
	_ =	sdelay $0x1  }
0x1a5: {  	s22 =	simm.s32 @p3 $0x0;
	p1 =	slt.s32 s21, s19  }
0x1a6: {  	p1 =	por p1, p5;
	s2 =	sadd.s32 s1, s2;
	v5 =	vpsel p6, v5, v14;
	p3 =	seq.s32 s0, $0x1  }
0x1a7: {  	v5 =	vpsel p3, v5, v11;
	p3 =	sge.s32 s2, s19;
	s2 =	simm.s32 @!p1 $0x0  }
0x1a8: {  	s0 =	sld [smem:$0x7E9];
	s2 =	simm.s32 @p1 $0x1  }
0x1a9: {  	[smem:$0x7F7] =	sst s2  }
0x1aa: {  	s2 =	sld [smem:$0x7F0];
	_ =	sdelay $0x2  }
0x1ab: {  	s22 =	simm.s32 @p0 $0x0;
	p1 =	seq.s32 s2, $0x1  }
0x1ac: {  	s23 =	smov.u32 @p1 s22;
	s22 =	sld [smem:$0x7F6];
	_ =	sdelay $0x2  }
0x1ad: {  	p2 =	sge.s32 s21, s19;
	p1 =	seq.s32 s22, $0x1;
	s22 =	sld [smem:$0x7F1]  }
0x1ae: {  	p0 =	por p5, p2  }
0x1af: {  	p2 =	por !p0, !p0  }
0x1b0: {  	p2 =	por !p3, !p2;
	p3 =	seq.s32 s22, $0x1  }
0x1b1: {  	s24 =	smov.u32 @p3 s23;
	s23 =	sld [smem:$0x7ED]  }
0x1b2: {  	s22 =	sld [smem:$0x7F2];
	_ =	sdelay $0x1  }
0x1b3: {  	v5 =	vpsel p1, v5, v6;
	p3 =	por !p2, !p2;
	p2 =	slt.s32 s1, s19;
	p5 =	seq.s32 s23, $0x1  }
0x1b4: {  	v5 =	vpsel p5, v5, v12;
	p5 =	por p2, p0;
	p0 =	seq.s32 s22, $0x1  }
0x1b5: {  	s25 =	smov.u32 @p0 s24;
	s24 =	sld [smem:$0x7F3];
	_ =	sdelay $0x2  }
0x1b6: {  	p2 =	por !p3, !p2;
	p3 =	seq.s32 s24, $0x1  }
0x1b7: {  	s26 =	smov.u32 @p3 s25  }
0x1b8: {  	s28 =	smov.u32 @p4 s26;
	s26 =	sld [smem:$0x7EA];
	_ =	sdelay $0x2  }
0x1b9: {  	s23 =	sld [smem:$0x7F7];
	p4 =	seq.s32 s26, $0x1  }
0x1ba: {  	s29 =	smov.u32 @p4 s28;
	s28 =	sld [smem:$0x7EB];
	_ =	sdelay $0x1  }
0x1bb: {  	p0 =	seq.s32 s23, $0x1  }
0x1bc: {  	v5 =	vpsel p0, v5, v56;
	p3 =	por !p2, !p2;
	p2 =	seq.s32 s28, $0x1  }
0x1bd: {  	v5 =	vpsel p5, v5, v57;
	s30 =	smov.u32 @p2 s29  }
0x1be: {  	v5 =	vpsel p3, v16, v5;
	s31 =	smov.u32 @p6 s30;
	s30 =	sld [smem:$0x7EC]  }
0x1bf: {  	v5 =	vperm.xlane v5, v4  }
0x1c0: {  	s2 =	sld [smem:$0x7ED]  }
0x1c1: {  	(xrf0) =	vadd.scan.msk.s32 $0xffff, v5;
	p6 =	seq.s32 s30, $0x1  }
0x1c2: {  	s0 =	smov.u32 @p6 s31  }
0x1c3: {  	s3 =	smov.u32 @p1 s0;
	p1 =	seq.s32 s2, $0x1  }
0x1c4: {  	s6 =	smov.u32 @p1 s3  }
0x1c5: {  	s12 =	smov.u32 @p0 s6  }
0x1c6: {  	s21 =	smov.u32 @p5 s12  }
0x1c7: {  	v6, _, _ =	vpop (xrf0);
	s21 =	smov.u32 @p3 s1  }
0x1c8: {  	v6 =	vadd.s32 s21, v6  }
0x1c9: {  	vm0 =	vge.s32 v6, s19  }
0x1ca: {  	v6 =	vmpcnt.ones.xlane vm0;
	_ =	sdelay $0x1  }
0x1cb: {  	v6 =	vxor.u32 $0x80000000, v6  }
0x1cc: {  	(xrf0) =	vmax.scan.msk.u32 $0xffff, v6;
	_ =	sdelay $0x2  }
0x1cd: {  	s3 =	sld [smem:$0x7EE];
	v5 =	vsel vm0, $0x0, v5  }
0x1ce: {  	s6 =	sld [smem:$0x7EF]  }
0x1cf: {  	s12 =	sld [smem:$0x7F0];
	(xrf0) =	vadd.scan.msk.s32 $0xffff, v5  }
0x1d0: {  	s22 =	sld [smem:$0x7F1];
	s0 =	simm.s32 $0xFFFFFFFF;
	p0 =	seq.s32 s3, $0x1;
	v5, _, _ =	vpop (xrf0)  }
0x1d1: {  	s23 =	sld [smem:$0x7F2];
	s0 =	simm.s32 @!p0 $0xDF;
	p0 =	seq.s32 s6, $0x1;
	(v2sf) =	vpush v5, $0xF  }
0x1d2: {  	s24 =	sld [smem:$0x7F3];
	s0 =	simm.s32 @p0 $0xEF;
	p0 =	seq.s32 s12, $0x1  }
0x1d3: {  	s25 =	sld [smem:$0x7F4];
	s0 =	simm.s32 @!p0 $0xCF;
	p0 =	seq.s32 s22, $0x1  }
0x1d4: {  	s0 =	simm.s32 @!p0 $0xBF;
	p0 =	seq.s32 s23, $0x1  }
0x1d5: {  	s0 =	simm.s32 @!p0 $0xAF;
	p0 =	seq.s32 s24, $0x1;
	v5, _, _ =	vpop (xrf0)  }
0x1d6: {  	[tilespmem:$0x20F0] =	vst v1;
	s26 =	sld [smem:$0x7F5];
	s0 =	simm.s32 @!p0 $0x9F;
	p0 =	seq.s32 s25, $0x1;
	(v2sf) =	vpush v5, $0xF  }
0x1d7: {  	[tilespmem:$0x20E0] =	vst v1;
	s0 =	simm.s32 @!p0 $0x8F  }
0x1d8: {  	[tilespmem:$0x20D0] =	vst v1;
	s28 =	sld [smem:$0x7F6];
	s0 =	simm.s32 @!p4 $0x7F  }
0x1d9: {  	[tilespmem:$0x20C0] =	vst v1;
	p0 =	seq.s32 s26, $0x1;
	s0 =	simm.s32 @!p2 $0x6F  }
0x1da: {  	[tilespmem:$0x20B0] =	vst v1;
	s29 =	sld [smem:$0x7F7];
	s0 =	simm.s32 @!p0 $0x5F  }
0x1db: {  	[tilespmem:$0x20A0] =	vst v1;
	p0 =	seq.s32 s28, $0x1;
	s0 =	simm.s32 @!p6 $0x4F  }
0x1dc: {  	[tilespmem:$0x2090] =	vst v1;
	s0 =	simm.s32 @!p0 $0x3F  }
0x1dd: {  	[tilespmem:$0x2080] =	vst v1;
	p0 =	seq.s32 s29, $0x1;
	s0 =	simm.s32 @!p1 $0x2F  }
0x1de: {  	[tilespmem:$0x2070] =	vst v1;
	s0 =	simm.s32 @!p0 $0x1F  }
0x1df: {  	[tilespmem:$0x2060] =	vst v1;
	s0 =	simm.s32 @!p5 $0xF  }
0x1e0: {  	[tilespmem:$0x2050] =	vst v1;
	p0 =	sgt.s32 s17, $0x0;
	s0 =	simm.s32 @p3 $0xFFFFFFFF;
	s30 =	spop (v2sf)  }
.Ltmp10:
0x1e1: {  	[tilespmem:$0x2040] =	vst v1;
	s0 =	sadd.s32 s30, s0;
	(pc) =	sbr.rel @!p0 .LBB2_26-.Ltmp10, $4  }
0x1e2: {  	[tilespmem:$0x2030] =	vst v1;
	s31 =	sshll.u32 s20, $0x8;
	s0 =	sadd.s32 $0x80000000, s0  }
0x1e3: {  	[tilespmem:$0x2020] =	vst v1;
	s20 =	sor.u32 s31, s0;
	s0 =	simm.s32 @!p0 $0x0  }
0x1e4: {  	[tilespmem:$0x2010] =	vst v1;
	s0 =	simm.s32 @p0 $0x1  }
0x1e5: {  	[tilespmem:$0x2000] =	vst v1;
	s23 =	spop (v2sf);
	[smem:$0x7F8] =	sst s0  }
0x1e6: {  	s3 =	simm.s32 $0x3000  }
0x1e7: {  	p1 =	seq.s32 s17, $0x1;
	v10 =	vld [tilespmem:s3+$0x0]  }
.Ltmp11:
0x1e8: {  	_ = 	snop;
	(pc) =	sbr.rel @p1 .LBB2_20-.Ltmp11, $4  }
0x1e9: {  	_ = 	snop  }
0x1ea: {  	s0 =	sadd.s32 s16, s18  }
0x1eb: {  	s0 =	sadd.s32 s15, s0  }
0x1ec: {  	v5 =	vmov s20;
	s22 =	simm.s32 $0x3010;
	p0 =	por $0x0, $0x0;
	s3 =	sadd.s32 $0xFFFFFFFF, s17;
	v7 =	vmov s0;
	v8 =	vshra.s32 v10, $0xC  }
0x1ed: {  	v9 =	vld [tilespmem:s22+$0x0];
	vm0 =	vgt.s32 v7, v0;
	vm1 =	veq.s32 v8, v5;
	p1 =	seq.s32 s3, $0x1  }
.Ltmp12:
0x1ee: {  	v6 =	vshrl.u32 v10, $0x4;
	vm0 =	vmand vm0, vm1;
	(pc) =	sbr.rel @p1 .LBB2_22-.Ltmp12, $3  }
0x1ef: {  	v6 =	vand.u32 $0xFF, v6;
	_ =	sdelay $0x1  }
0x1f0: {  	s0 =	sadd.s32 $0xFFFFFFF0, s0  }
0x1f1: {  	s3 =	sadd.s32 $0xFFFFFFFF, s3;
	s22 =	simm.s32 $0x3020;
	p0 =	por $0x1, $0x1;
	v7 =	vmov s0;
	v8 =	vshra.s32 v9, $0xC  }
.LBB2_23:
0x1f2: {  	v10 =	vld [tilespmem:s22+$0x0];
	p1 =	seq.s32 s3, $0x1;
	s3 =	sadd.s32 $0xFFFFFFFF, s3;
	vm1 =	vgt.s32 v7, v0;
	vm2 =	veq.s32 v8, v5  }
.Ltmp13:
0x1f3: {  	v7 =	vshrl.u32 v9, $0x4;
	[tilespmem:v6+s10+$0x0] =	vst.idx.add.s32.msk vm0, v3;
	vm0 =	vmand vm1, vm2;
	(pc) =	sbr.rel @!p1 .LBB2_23-.Ltmp13, $3  }
0x1f4: {  	v6 =	vand.u32 $0xFF, v7;
	_ =	sdelay $0x1  }
0x1f5: {  	s0 =	sadd.s32 $0xFFFFFFF0, s0  }
0x1f6: {  	s22 =	sadd.s32 $0x10, s22;
	v7 =	vmov s0;
	v8 =	vshra.s32 v10, $0xC;
	v9 =	vmov v10  }
0x1f7: {  	v10 =	vmov v9  }
.LBB2_25:
0x1f8: {  	vm1 =	vgt.s32 v7, v0;
	vm2 =	veq.s32 v8, v5  }
0x1f9: {  	v5 =	vshrl.u32 v10, $0x4;
	vm1 =	vmand vm1, vm2  }
0x1fa: {  	v5 =	vand.u32 $0xFF, v5;
	_ =	sdelay $0x3  }
0x1fb: {  	[tilespmem:v6+s10+$0x0] =	vst.idx.add.s32.msk @p0 vm0, v3  }
0x1fc: {  	[tilespmem:v5+s10+$0x0] =	vst.idx.add.s32.msk vm1, v3  }
.LBB2_26:
0x1fd: {  	v17 =	vld [tilespmem:$0x20F0]  }
0x1fe: {  	v18 =	vld [tilespmem:$0x20E0]  }
0x1ff: {  	v19 =	vld [tilespmem:$0x20D0];
	_ =	sdelay $0x1  }
0x200: {  	v20 =	vld [tilespmem:$0x20C0]  }
0x201: {  	(xrf0) =	vadd.scan.msk.s32 $0xffff, v17  }
0x202: {  	(xrf0) =	vadd.scan.msk.s32 $0xffff, v18  }
0x203: {  	v15 =	vld [tilespmem:$0x20B0];
	(xrf0) =	vadd.scan.msk.s32 $0xffff, v19;
	_ =	sdelay $0x1  }
0x204: {  	v7 =	vld [tilespmem:$0x20A0];
	(xrf0) =	vadd.scan.msk.s32 $0xffff, v20;
	_ =	sdelay $0x1  }
0x205: {  	v5 =	vld [tilespmem:$0x2090];
	v6, _, _ =	vpop (xrf0)  }
0x206: {  	(xrf0) =	vadd.scan.msk.s32 $0xffff, v15;
	(v2sf) =	vpush v6, $0xF;
	v6, _, _ =	vpop (xrf0)  }
0x207: {  	v8 =	vld [tilespmem:$0x2080];
	(v2sf) =	vpush v6, $0xF;
	v6, _, _ =	vpop (xrf0)  }
0x208: {  	(xrf0) =	vadd.scan.msk.s32 $0xffff, v7;
	(v2sf) =	vpush v6, $0xF  }
0x209: {  	v6, _, _ =	vpop (xrf0)  }
0x20a: {  	(xrf0) =	vadd.scan.msk.s32 $0xffff, v5;
	(v2sf) =	vpush v6, $0xF;
	_ =	sdelay $0x1  }
0x20b: {  	(xrf0) =	vadd.scan.msk.s32 $0xffff, v8;
	v6, _, _ =	vpop (xrf0)  }
0x20c: {  	v10 =	vld [tilespmem:$0x2070];
	(v2sf) =	vpush v6, $0xF  }
0x20d: {  	v6, _, _ =	vpop (xrf0)  }
0x20e: {  	v14 =	vld [tilespmem:$0x2060];
	(v2sf) =	vpush v6, $0xF  }
0x20f: {  	v9, _, _ =	vpop (xrf0)  }
0x210: {  	v11 =	vld [tilespmem:$0x2050];
	(v2sf) =	vpush v9, $0xF  }
0x211: {  	(xrf0) =	vadd.scan.msk.s32 $0xffff, v10;
	v55, _, _ =	vpop (xrf0)  }
0x212: {  	(v2sf) =	vpush v55, $0xF  }
0x213: {  	(xrf0) =	vadd.scan.msk.s32 $0xffff, v14  }
0x214: {  	s22 =	spop (v2sf)  }
0x215: {  	s0 =	sadd.s32 s23, s21;
	v6 =	vld [tilespmem:$0x2040];
	(xrf0) =	vadd.scan.msk.s32 $0xffff, v11;
	s1 =	spop (v2sf)  }
0x216: {  	s19 =	ssub.s32 s19, s0;
	s23 =	sadd.s32 s22, s1;
	s26 =	spop (v2sf)  }
0x217: {  	v13, _, _ =	vpop (xrf0);
	p3 =	sge.s32 s22, s19;
	p0 =	sge.s32 s23, s19;
	s24 =	sadd.s32 s23, s26  }
0x218: {  	(v2sf) =	vpush v13, $0xF;
	s28 =	spop (v2sf);
	p0 =	por p3, p0;
	p2 =	slt.s32 s24, s19  }
0x219: {  	v21, _, _ =	vpop (xrf0);
	p1 =	sge.s32 s24, s19;
	s25 =	sadd.s32 s24, s28;
	p2 =	por p2, p0  }
0x21a: {  	(xrf0) =	vadd.scan.msk.s32 $0xffff, v6;
	(v2sf) =	vpush v21, $0xF;
	p0 =	por p0, p1;
	p4 =	sge.s32 s25, s19;
	s1 =	simm.s32 @!p2 $0x0  }
0x21b: {  	v58, _, _ =	vpop (xrf0);
	p5 =	slt.s32 s25, s19;
	s29 =	spop (v2sf);
	s1 =	simm.s32 @p2 $0x1  }
0x21c: {  	v12 =	vld [tilespmem:$0x2030];
	(v2sf) =	vpush v58, $0xF;
	p2 =	por p5, p0;
	p0 =	por p0, p4;
	s26 =	sadd.s32 s25, s29  }
0x21d: {  	s30 =	spop (v2sf);
	[smem:$0x7E1] =	sst s1;
	s1 =	simm.s32 @!p2 $0x0  }
0x21e: {  	p6 =	sge.s32 s26, s19;
	p5 =	slt.s32 s26, s19;
	s28 =	sadd.s32 s26, s30  }
0x21f: {  	s31 =	spop (v2sf);
	s1 =	simm.s32 @p2 $0x1;
	p4 =	por p5, p0  }
0x220: {  	v59, _, _ =	vpop (xrf0);
	p0 =	por p0, p6;
	p6 =	sge.s32 s28, s19;
	p5 =	slt.s32 s28, s19  }
0x221: {  	v56 =	vld [tilespmem:$0x2020];
	(xrf0) =	vadd.scan.msk.s32 $0xffff, v12;
	(v2sf) =	vpush v59, $0xF;
	s29 =	sadd.s32 s28, s31;
	s2 =	spop (v2sf);
	[smem:$0x7E2] =	sst s1  }
0x222: {  	s1 =	simm.s32 @!p4 $0x0;
	p5 =	por p5, p0;
	p0 =	por p0, p6  }
0x223: {  	v57 =	vld [tilespmem:$0x2010];
	p1 =	sge.s32 s29, s19;
	p6 =	slt.s32 s29, s19;
	s1 =	simm.s32 @p4 $0x1  }
0x224: {  	v16 =	vld [tilespmem:$0x2000];
	s30 =	sadd.s32 s29, s2;
	[smem:$0x7E3] =	sst s1;
	s1 =	simm.s32 @!p5 $0x0  }
0x225: {  	p2 =	por p6, p0;
	p0 =	por p0, p1;
	s1 =	simm.s32 @p5 $0x1  }
0x226: {  	(xrf0) =	vadd.scan.msk.s32 $0xffff, v56;
	p1 =	sge.s32 s30, s19;
	[smem:$0x7E4] =	sst s1;
	s1 =	simm.s32 @!p2 $0x0  }
0x227: {  	v60, _, _ =	vpop (xrf0);
	p6 =	slt.s32 s30, s19;
	s1 =	simm.s32 @p2 $0x1;
	s3 =	spop (v2sf)  }
0x228: {  	(xrf0) =	vadd.scan.msk.s32 $0xffff, v57;
	(v2sf) =	vpush v60, $0xF;
	p2 =	por p6, p0;
	p0 =	por p0, p1;
	[smem:$0x7E5] =	sst s1  }
0x229: {  	(xrf0) =	vadd.scan.msk.s32 $0xffff, v16;
	s1 =	simm.s32 @!p2 $0x0;
	s31 =	sadd.s32 s30, s3;
	s6 =	spop (v2sf)  }
0x22a: {  	s1 =	simm.s32 @p2 $0x1;
	p1 =	sge.s32 s31, s19;
	p6 =	slt.s32 s31, s19  }
0x22b: {  	s0 =	sadd.s32 s31, s6;
	s12 =	spop (v2sf);
	s6 =	sld [smem:$0x7E1]  }
0x22c: {  	v61, _, _ =	vpop (xrf0);
	p2 =	slt.s32 s23, s19;
	[smem:$0x7DB] =	sst s1;
	p6 =	por p6, p0  }
0x22d: {  	(v2sf) =	vpush v61, $0xF;
	p0 =	por p0, p1;
	s2 =	simm.s32 @!p2 $0x0;
	p1 =	slt.s32 s0, s19  }
0x22e: {  	v62, _, _ =	vpop (xrf0);
	s3 =	sadd.s32 s0, s12;
	s12 =	sld [smem:$0x7E2];
	s1 =	simm.s32 @!p6 $0x0  }
0x22f: {  	(v2sf) =	vpush v62, $0xF;
	v63, _, _ =	vpop (xrf0);
	v18 =	vpsel p2, $0x0, v18;
	s2 =	simm.s32 @p2 $0x1;
	p1 =	por p1, p0;
	p2 =	sge.s32 s0, s19  }
0x230: {  	(v2sf) =	vpush v63, $0xF;
	s21 =	spop (v2sf);
	s1 =	simm.s32 @p6 $0x1;
	[smem:$0x7DF] =	sst s2  }
0x231: {  	s2 =	simm.s32 @!p1 $0x0;
	p0 =	por p0, p2;
	p2 =	seq.s32 s6, $0x1  }
0x232: {  	v17 =	vpsel p3, v17, v18;
	[smem:$0x7DC] =	sst s1;
	s2 =	simm.s32 @p1 $0x1;
	s1 =	simm.s32 @!p3 $0x0  }
0x233: {  	p1 =	slt.s32 s3, s19;
	v17 =	vpsel p2, v17, v19;
	p2 =	sge.s32 s3, s19;
	[smem:$0x7E6] =	sst s2  }
0x234: {  	s1 =	simm.s32 @p3 $0x1;
	p1 =	por p1, p0;
	p0 =	por p0, p2  }
0x235: {  	p2 =	seq.s32 s12, $0x1;
	s12 =	sld [smem:$0x7E5];
	s2 =	simm.s32 @!p1 $0x0  }
0x236: {  	[smem:$0x7E0] =	sst s1;
	s1 =	sadd.s32 s3, s21;
	s2 =	simm.s32 @p1 $0x1  }
0x237: {  	v17 =	vpsel p2, v17, v20;
	s21 =	spop (v2sf);
	p2 =	slt.s32 s1, s19;
	[smem:$0x7DD] =	sst s2  }
0x238: {  	v15 =	vpsel p4, v17, v15;
	p1 =	por p2, p0;
	s2 =	sadd.s32 s1, s21;
	p2 =	sge.s32 s1, s19  }
0x239: {  	v7 =	vpsel p5, v15, v7;
	s6 =	simm.s32 @!p1 $0x0;
	p0 =	por p0, p2;
	p5 =	slt.s32 s2, s19  }
0x23a: {  	p4 =	sge.s32 s2, s19;
	s6 =	simm.s32 @p1 $0x1;
	p2 =	por p5, p0  }
0x23b: {  	p5 =	por p0, p4;
	p4 =	seq.s32 s12, $0x1;
	s12 =	sld [smem:$0x7DB]  }
0x23c: {  	s21 =	spop (v2sf);
	[smem:$0x7E7] =	sst s6;
	s6 =	simm.s32 @!p2 $0x0  }
0x23d: {  	s21 =	sadd.s32 s2, s21;
	s6 =	simm.s32 @p2 $0x1  }
0x23e: {  	[smem:$0x7DE] =	sst s6;
	p1 =	seq.s32 s12, $0x1;
	s12 =	spop (v2sf)  }
0x23f: {  	s6 =	sadd.s32 s21, s12;
	s12 =	spop (v2sf);
	[smem:$0x7E9] =	sst s0  }
0x240: {  	s0 =	sld [smem:$0x7E6]  }
0x241: {  	v5 =	vpsel p4, v7, v5  }
0x242: {  	v5 =	vpsel p1, v5, v8  }
0x243: {  	v5 =	vpsel p6, v5, v10;
	p6 =	seq.s32 s0, $0x1;
	s0 =	sld [smem:$0x7E9];
	_ =	sdelay $0x2  }
0x244: {  	[smem:$0x7E9] =	sst s0  }
0x245: {  	s0 =	sld [smem:$0x7DF];
	_ =	sdelay $0x2  }
0x246: {  	p0 =	seq.s32 s0, $0x1;
	s0 =	sld [smem:$0x7E9];
	_ =	sdelay $0x2  }
0x247: {  	[smem:$0x7E9] =	sst s0  }
0x248: {  	s0 =	sld [smem:$0x7DD];
	_ =	sdelay $0x1  }
0x249: {  	s22 =	simm.s32 @p3 $0x0;
	p1 =	slt.s32 s21, s19  }
0x24a: {  	s12 =	sadd.s32 s6, s12;
	p1 =	por p1, p5;
	v5 =	vpsel p6, v5, v14;
	p3 =	seq.s32 s0, $0x1  }
0x24b: {  	v5 =	vpsel p3, v5, v11;
	p3 =	sge.s32 s12, s19;
	s12 =	simm.s32 @!p1 $0x0  }
0x24c: {  	s0 =	sld [smem:$0x7E9];
	s12 =	simm.s32 @p1 $0x1  }
0x24d: {  	[smem:$0x7E8] =	sst s12  }
0x24e: {  	s12 =	sld [smem:$0x7E1];
	_ =	sdelay $0x2  }
0x24f: {  	s22 =	simm.s32 @p0 $0x0;
	p1 =	seq.s32 s12, $0x1  }
0x250: {  	s23 =	smov.u32 @p1 s22;
	s22 =	sld [smem:$0x7E7];
	_ =	sdelay $0x2  }
0x251: {  	p2 =	sge.s32 s21, s19;
	p1 =	seq.s32 s22, $0x1;
	s22 =	sld [smem:$0x7E2]  }
0x252: {  	p0 =	por p5, p2  }
0x253: {  	p2 =	por !p0, !p0  }
0x254: {  	p2 =	por !p3, !p2;
	p3 =	seq.s32 s22, $0x1  }
0x255: {  	s24 =	smov.u32 @p3 s23;
	s23 =	sld [smem:$0x7DE]  }
0x256: {  	s22 =	sld [smem:$0x7E3];
	_ =	sdelay $0x1  }
0x257: {  	v5 =	vpsel p1, v5, v6;
	p3 =	por !p2, !p2;
	p2 =	slt.s32 s6, s19;
	p5 =	seq.s32 s23, $0x1  }
0x258: {  	v5 =	vpsel p5, v5, v12;
	p5 =	por p2, p0;
	p0 =	seq.s32 s22, $0x1  }
0x259: {  	s25 =	smov.u32 @p0 s24;
	s24 =	sld [smem:$0x7E4];
	_ =	sdelay $0x2  }
0x25a: {  	p2 =	por !p3, !p2;
	p3 =	seq.s32 s24, $0x1  }
0x25b: {  	s26 =	smov.u32 @p3 s25  }
0x25c: {  	s28 =	smov.u32 @p4 s26;
	s26 =	sld [smem:$0x7DB];
	_ =	sdelay $0x2  }
0x25d: {  	p4 =	seq.s32 s26, $0x1  }
0x25e: {  	s29 =	smov.u32 @p4 s28;
	s28 =	sld [smem:$0x7DC]  }
0x25f: {  	s23 =	sld [smem:$0x7E8];
	_ =	sdelay $0x1  }
0x260: {  	p3 =	seq.s32 s28, $0x1  }
0x261: {  	p0 =	seq.s32 s23, $0x1;
	s30 =	smov.u32 @p3 s29  }
0x262: {  	v5 =	vpsel p0, v5, v56;
	s31 =	smov.u32 @p6 s30;
	s30 =	sld [smem:$0x7DD]  }
0x263: {  	p2 =	por !p2, !p2;
	v5 =	vpsel p5, v5, v57  }
0x264: {  	v5 =	vpsel p2, v16, v5  }
0x265: {  	v5 =	vperm.xlane v5, v4;
	p6 =	seq.s32 s30, $0x1  }
0x266: {  	s0 =	smov.u32 @p6 s31;
	s31 =	sld [smem:$0x7DE]  }
0x267: {  	(xrf0) =	vadd.scan.msk.s32 $0xffff, v5;
	_ =	sdelay $0x1  }
0x268: {  	s3 =	smov.u32 @p1 s0;
	p1 =	seq.s32 s31, $0x1  }
0x269: {  	s1 =	smov.u32 @p1 s3  }
0x26a: {  	s2 =	smov.u32 @p0 s1  }
0x26b: {  	s21 =	smov.u32 @p5 s2  }
0x26c: {  	v6, _, _ =	vpop (xrf0);
	s21 =	smov.u32 @p2 s6  }
0x26d: {  	v6 =	vadd.s32 s21, v6  }
0x26e: {  	vm0 =	vge.s32 v6, s19  }
0x26f: {  	v6 =	vmpcnt.ones.xlane vm0;
	_ =	sdelay $0x1  }
0x270: {  	v6 =	vxor.u32 $0x80000000, v6  }
0x271: {  	(xrf0) =	vmax.scan.msk.u32 $0xffff, v6  }
0x272: {  	s2 =	sld [smem:$0x7DF]  }
0x273: {  	s3 =	sld [smem:$0x7E0];
	v5 =	vsel vm0, $0x0, v5  }
0x274: {  	s6 =	sld [smem:$0x7E1];
	(xrf0) =	vadd.scan.msk.s32 $0xffff, v5  }
0x275: {  	s12 =	sld [smem:$0x7E2];
	s0 =	simm.s32 $0xFFFFFFFF;
	p0 =	seq.s32 s2, $0x1  }
0x276: {  	s22 =	sld [smem:$0x7E3];
	s0 =	simm.s32 @!p0 $0xDF;
	p0 =	seq.s32 s3, $0x1  }
0x277: {  	s23 =	sld [smem:$0x7E4];
	s0 =	simm.s32 @p0 $0xEF;
	p0 =	seq.s32 s6, $0x1;
	v5, _, _ =	vpop (xrf0)  }
0x278: {  	s24 =	sld [smem:$0x7E5];
	s0 =	simm.s32 @!p0 $0xCF;
	p0 =	seq.s32 s12, $0x1;
	(v2sf) =	vpush v5, $0xF  }
0x279: {  	s0 =	simm.s32 @!p0 $0xBF;
	p0 =	seq.s32 s22, $0x1  }
0x27a: {  	s0 =	simm.s32 @!p0 $0xAF;
	p0 =	seq.s32 s23, $0x1;
	v5, _, _ =	vpop (xrf0)  }
0x27b: {  	[tilespmem:$0x20F0] =	vst v1;
	s25 =	sld [smem:$0x7E6];
	s0 =	simm.s32 @!p0 $0x9F;
	p0 =	seq.s32 s24, $0x1;
	(v2sf) =	vpush v5, $0xF  }
0x27c: {  	[tilespmem:$0x20E0] =	vst v1;
	s0 =	simm.s32 @!p0 $0x8F  }
0x27d: {  	[tilespmem:$0x20D0] =	vst v1;
	s26 =	sld [smem:$0x7E7];
	s0 =	simm.s32 @!p4 $0x7F  }
0x27e: {  	[tilespmem:$0x20C0] =	vst v1;
	p0 =	seq.s32 s25, $0x1;
	s0 =	simm.s32 @!p3 $0x6F  }
0x27f: {  	[tilespmem:$0x20B0] =	vst v1;
	s28 =	sld [smem:$0x7E8];
	s0 =	simm.s32 @!p0 $0x5F  }
0x280: {  	[tilespmem:$0x20A0] =	vst v1;
	p0 =	seq.s32 s26, $0x1;
	s0 =	simm.s32 @!p6 $0x4F  }
0x281: {  	[tilespmem:$0x2090] =	vst v1;
	s0 =	simm.s32 @!p0 $0x3F  }
0x282: {  	[tilespmem:$0x2080] =	vst v1;
	s31 =	sld [smem:$0x7F8];
	p0 =	seq.s32 s28, $0x1;
	s0 =	simm.s32 @!p1 $0x2F  }
0x283: {  	[tilespmem:$0x2070] =	vst v1;
	s0 =	simm.s32 @!p0 $0x1F  }
0x284: {  	[tilespmem:$0x2060] =	vst v1;
	s0 =	simm.s32 @!p5 $0xF  }
0x285: {  	[tilespmem:$0x2050] =	vst v1;
	s0 =	simm.s32 @p2 $0xFFFFFFFF;
	p2 =	seq.s32 s31, $0x1  }
.Ltmp14:
0x286: {  	[tilespmem:$0x2040] =	vst v1;
	(pc) =	sbr.rel @!p2 .LBB2_29-.Ltmp14, $4  }
0x287: {  	[tilespmem:$0x2030] =	vst v1;
	s29 =	spop (v2sf)  }
0x288: {  	[tilespmem:$0x2020] =	vst v1;
	s0 =	sadd.s32 s29, s0  }
0x289: {  	[tilespmem:$0x2010] =	vst v1;
	s30 =	sshll.u32 s20, $0x8;
	s0 =	sadd.s32 $0x80000000, s0  }
0x28a: {  	[tilespmem:$0x2000] =	vst v1;
	s22 =	spop (v2sf);
	s20 =	sor.u32 s30, s0  }
0x28b: {  	s3 =	simm.s32 $0x3000  }
0x28c: {  	p1 =	seq.s32 s17, $0x1;
	v10 =	vld [tilespmem:s3+$0x0]  }
.Ltmp15:
0x28d: {  	_ = 	snop;
	(pc) =	sbr.rel @p1 .LBB2_28-.Ltmp15, $4  }
0x28e: {  	_ = 	snop  }
0x28f: {  	s0 =	sadd.s32 s16, s18  }
0x290: {  	s0 =	sadd.s32 s15, s0  }
0x291: {  	v5 =	vmov s20;
	s23 =	simm.s32 $0x3010;
	p0 =	por $0x0, $0x0;
	s3 =	sadd.s32 $0xFFFFFFFF, s17;
	v7 =	vmov s0;
	v8 =	vshra.s32 v10, $0x4  }
0x292: {  	v9 =	vld [tilespmem:s23+$0x0];
	vm0 =	vgt.s32 v7, v0;
	vm1 =	veq.s32 v8, v5;
	p1 =	seq.s32 s3, $0x1  }
.Ltmp16:
0x293: {  	vm0 =	vmand vm0, vm1;
	(pc) =	sbr.rel @p1 .LBB2_38-.Ltmp16, $3  }
0x294: {  	v6 =	vand.u32 $0xF, v10;
	_ =	sdelay $0x1  }
0x295: {  	s0 =	sadd.s32 $0xFFFFFFF0, s0  }
0x296: {  	s3 =	sadd.s32 $0xFFFFFFFF, s3;
	s23 =	simm.s32 $0x3020;
	p0 =	por $0x1, $0x1;
	v7 =	vmov s0;
	v8 =	vshra.s32 v9, $0x4  }
.LBB2_39:
0x297: {  	v10 =	vld [tilespmem:s23+$0x0];
	p1 =	seq.s32 s3, $0x1;
	s3 =	sadd.s32 $0xFFFFFFFF, s3;
	vm1 =	vgt.s32 v7, v0;
	vm2 =	veq.s32 v8, v5  }
.Ltmp17:
0x298: {  	[tilespmem:v6+s10+$0x0] =	vst.idx.add.s32.msk vm0, v3;
	vm0 =	vmand vm1, vm2;
	(pc) =	sbr.rel @!p1 .LBB2_39-.Ltmp17, $3  }
0x299: {  	v6 =	vand.u32 $0xF, v9;
	_ =	sdelay $0x1  }
0x29a: {  	s0 =	sadd.s32 $0xFFFFFFF0, s0  }
0x29b: {  	s23 =	sadd.s32 $0x10, s23;
	v7 =	vmov s0;
	v8 =	vshra.s32 v10, $0x4;
	v9 =	vmov v10  }
0x29c: {  	v10 =	vmov v9  }
.LBB2_41:
0x29d: {  	vm1 =	vgt.s32 v7, v0;
	vm2 =	veq.s32 v8, v5  }
0x29e: {  	vm1 =	vmand vm1, vm2  }
0x29f: {  	v5 =	vand.u32 $0xF, v10;
	_ =	sdelay $0x3  }
0x2a0: {  	[tilespmem:v6+s10+$0x0] =	vst.idx.add.s32.msk @p0 vm0, v3  }
0x2a1: {  	[tilespmem:v5+s10+$0x0] =	vst.idx.add.s32.msk vm1, v3  }
.LBB2_29:
0x2a2: {  	v5 =	vld [tilespmem:$0x2000];
	_ =	sdelay $0x4  }
0x2a3: {  	(xrf0) =	vadd.scan.msk.s32 $0xffff, v5;
	_ =	sdelay $0x5  }
0x2a4: {  	v6, _, _ =	vpop (xrf0)  }
0x2a5: {  	(v2sf) =	vpush v6, $0xF;
	_ =	sdelay $0xd  }
0x2a6: {  	s0 =	sadd.s32 s22, s21  }
0x2a7: {  	s0 =	ssub.s32 s19, s0;
	s1 =	spop (v2sf)  }
0x2a8: {  	p0 =	slt.s32 s1, s0  }
0x2a9: {  	v5 =	vpsel p0, $0x0, v5  }
0x2aa: {  	v5 =	vperm.xlane v5, v4;
	_ =	sdelay $0x1  }
0x2ab: {  	(xrf0) =	vadd.scan.msk.s32 $0xffff, v5;
	_ =	sdelay $0x1  }
.Ltmp18:
0x2ac: {  	_ = 	snop;
	(pc) =	sbr.rel @!p2 .LBB2_30-.Ltmp18, $2  }
0x2ad: {  	_ =	sdelay $0x2  }
0x2ae: {  	[tilespmem:$0x2000] =	vst v1;
	v6, _, _ =	vpop (xrf0)  }
0x2af: {  	v7 =	vmov s0;
	vm0 =	vge.s32 v6, s0  }
0x2b0: {  	v8 =	vmpcnt.ones.xlane vm0;
	vm0 =	vge.s32 v6, v7  }
0x2b1: {  	v5 =	vsel vm0, $0x0, v5  }
0x2b2: {  	(xrf0) =	vadd.scan.msk.s32 $0xffff, v5;
	v5 =	vxor.u32 $0x80000000, v8  }
0x2b3: {  	(xrf0) =	vmax.scan.msk.u32 $0xffff, v5;
	_ =	sdelay $0x4  }
0x2b4: {  	v5, _, _ =	vpop (xrf0)  }
0x2b5: {  	(v2sf) =	vpush v5, $0xF;
	v5, _, _ =	vpop (xrf0)  }
0x2b6: {  	(v2sf) =	vpush v5, $0xF;
	_ =	sdelay $0xb  }
0x2b7: {  	s3 =	sshll.u32 s20, $0x4  }
0x2b8: {  	s6 =	sadd.s32 s16, s18;
	s19 =	simm.s32 $0x3000;
	p1 =	seq.s32 s17, $0x1  }
.Ltmp19:
0x2b9: {  	s16 =	simm.s32 $0x5080;
	s1 =	spop (v2sf);
	(pc) =	sbr.rel @p1 .LBB2_46-.Ltmp19, $4  }
0x2ba: {  	p0 =	por $0x0, $0x0;
	s21 =	simm.s32 $0x3000;
	s2 =	spop (v2sf)  }
0x2bb: {  	s20 =	simm.s32 $0x5080;
	s18 =	sadd.s32 s15, s6;
	s2 =	sadd.s32 $0x7FFFFFFF, s2  }
0x2bc: {  	s15 =	simm.s32 $0x0;
	s1 =	ssub.s32 s0, s1;
	s2 =	sor.u32 s3, s2  }
0x2bd: {  	s22 =	smov.u32 s18;
	s0 =	sadd.s32 $0xFFFFFFFF, s17;
	s17 =	simm.s32 $0x0;
	v7 =	vmov s1;
	v6 =	vmov s2  }
0x2be: {  	v5 =	vld [tilespmem:s19+$0x0];
	_ =	sdelay $0x3  }
0x2bf: {  	v8 =	vmov s18  }
0x2c0: {  	vm0 =	vgt.s32 v8, v0;
	vm1 =	veq.s32 v5, v6  }
0x2c1: {  	vm1 =	vmand vm0, vm1  }
0x2c2: {  	v8 =	vsel vm1, $0x1, v1  }
0x2c3: {  	(xrf0) =	vadd.scan.msk.s32 $0xffff, v8;
	_ =	sdelay $0x5  }
0x2c4: {  	v8, _, _ =	vpop (xrf0)  }
0x2c5: {  	p1 =	seq.s32 s0, $0x1;
	v8 =	vadd.s32 s15, v8  }
.Ltmp20:
0x2c6: {  	vm2 =	vgt.s32 v5, v6;
	vm3 =	vle.s32 v8, v7;
	v9 =	vxor.u32 $0x80000000, v8;
	(pc) =	sbr.rel @p1 .LBB2_44-.Ltmp20, $4  }
0x2c7: {  	vm0 =	vmand vm0, vm2;
	v8 =	vld [tilespmem:s16+$0x0];
	vm1 =	vmand vm1, vm3;
	(xrf0) =	vmax.scan.msk.u32 $0xffff, v9  }
0x2c8: {  	vm0 =	vmor vm0, vm1  }
0x2c9: {  	s23 =	sadd.s32 $0xFFFFFFFF, s0;
	p0 =	por $0x1, $0x1;
	s17 =	simm.s32 $0x0;
	v9 =	vmpcnt.ones.xlane vm0  }
0x2ca: {  	s21 =	simm.s32 $0x3000;
	s22 =	smov.u32 s18;
	s20 =	simm.s32 $0x5080  }
.LBB2_45:
0x2cb: {  	p1 =	seq.s32 s23, $0x1;
	[tilespmem:s17+$0x9100] =	vst.msk vm0, v5;
	v9 =	vxor.u32 $0x80000000, v9  }
0x2cc: {  	[tilespmem:s17+$0x9280] =	vst.msk vm0, v8;
	(xrf0) =	vmax.scan.msk.u32 $0xffff, v9  }
0x2cd: {  	v5, _, _ =	vpop (xrf0)  }
0x2ce: {  	(v2sf) =	vpush v5, $0xF  }
0x2cf: {  	s21 =	sadd.s32 $0x10, s21  }
0x2d0: {  	v5 =	vld [tilespmem:s21+$0x0];
	_ =	sdelay $0x1  }
0x2d1: {  	v8, _, _ =	vpop (xrf0)  }
0x2d2: {  	s22 =	sadd.s32 $0xFFFFFFF0, s22;
	(v2sf) =	vpush v8, $0xF  }
0x2d3: {  	v8 =	vmov s22  }
0x2d4: {  	vm0 =	vgt.s32 v8, v0;
	vm1 =	veq.s32 v5, v6  }
0x2d5: {  	vm1 =	vmand vm0, vm1  }
0x2d6: {  	v8 =	vsel vm1, $0x1, v1  }
0x2d7: {  	(xrf0) =	vadd.scan.msk.s32 $0xffff, v8;
	_ =	sdelay $0x4  }
0x2d8: {  	s0 =	spop (v2sf)  }
0x2d9: {  	v8, _, _ =	vpop (xrf0);
	s0 =	sxor.u32 $0x80000000, s0  }
0x2da: {  	v8 =	vadd.s32 s0, v8  }
.Ltmp21:
0x2db: {  	s20 =	sadd.s32 $0x10, s20;
	vm2 =	vgt.s32 v5, v6;
	vm3 =	vle.s32 v8, v7;
	v9 =	vxor.u32 $0x80000000, v8;
	(pc) =	sbr.rel @!p1 .LBB2_45-.Ltmp21, $4  }
0x2dc: {  	vm0 =	vmand vm0, vm2;
	v8 =	vld [tilespmem:s20+$0x0];
	vm1 =	vmand vm1, vm3;
	(xrf0) =	vmax.scan.msk.u32 $0xffff, v9  }
0x2dd: {  	vm0 =	vmor vm0, vm1;
	s0 =	spop (v2sf)  }
0x2de: {  	v9 =	vmpcnt.ones.xlane vm0;
	s0 =	sadd.s32 s0, s17  }
0x2df: {  	s23 =	sadd.s32 $0xFFFFFFFF, s23;
	s17 =	sadd.s32 $0x80000000, s0  }
.LBB2_46:
0x2e0: {  	_ =	sdelay $0x1  }
0x2e1: {  	v10, _, _ =	vpop @p0 (xrf0)  }
0x2e2: {  	(v2sf) =	vpush @p0 v10, $0xF  }
0x2e3: {  	s0 =	sadd.s32 @p0 $0x10, s21  }
0x2e4: {  	s19 =	smov.u32 @p0 s0  }
0x2e5: {  	v61 =	vld [tilespmem:s19+$0x0];
	_ =	sdelay $0x1  }
0x2e6: {  	s0 =	sadd.s32 @p0 $0xFFFFFFF0, s22  }
0x2e7: {  	s18 =	smov.u32 @p0 s0  }
0x2e8: {  	v11 =	vmov s18  }
0x2e9: {  	vm1 =	vgt.s32 v11, v0;
	vm2 =	veq.s32 v61, v6  }
0x2ea: {  	v9 =	vxor.u32 @p0 $0x80000000, v9;
	vm2 =	vmand vm1, vm2  }
0x2eb: {  	(xrf0) =	vmax.scan.msk.u32 @p0 $0xffff, v9;
	v62 =	vsel vm2, $0x1, v1  }
0x2ec: {  	(xrf0) =	vadd.scan.msk.s32 $0xffff, v62;
	_ =	sdelay $0x3  }
0x2ed: {  	s0 =	spop @p0 (v2sf)  }
0x2ee: {  	s1 =	simm.s32 $0x0;
	v9, _, _ =	vpop @p0 (xrf0);
	s0 =	sxor.u32 @p0 $0x80000000, s0  }
0x2ef: {  	v63, _, _ =	vpop (xrf0);
	s1 =	smov.u32 @p0 s0  }
0x2f0: {  	v11 =	vadd.s32 s1, v63  }
0x2f1: {  	vm3 =	vgt.s32 v61, v6;
	vm4 =	vle.s32 v11, v7  }
0x2f2: {  	vm1 =	vmand vm1, vm3;
	vm2 =	vmand vm2, vm4  }
0x2f3: {  	vm1 =	vmor vm1, vm2  }
0x2f4: {  	v6 =	vmpcnt.ones.xlane vm1  }
0x2f5: {  	v7 =	vxor.u32 $0x80000000, v11  }
0x2f6: {  	(xrf0) =	vmax.scan.msk.u32 $0xffff, v7;
	v6 =	vxor.u32 $0x80000000, v6  }
0x2f7: {  	(xrf0) =	vmax.scan.msk.u32 $0xffff, v6;
	_ =	sdelay $0x1  }
0x2f8: {  	(v2sf) =	vpush @p0 v9, $0xF;
	_ =	sdelay $0x2  }
0x2f9: {  	v6, _, _ =	vpop (xrf0)  }
0x2fa: {  	(v2sf) =	vpush v6, $0xF;
	v6, _, _ =	vpop (xrf0)  }
0x2fb: {  	(v2sf) =	vpush v6, $0xF;
	_ =	sdelay $0x7  }
0x2fc: {  	s0 =	sadd.s32 @p0 $0x10, s20  }
0x2fd: {  	s16 =	smov.u32 @p0 s0  }
0x2fe: {  	s0 =	spop @p0 (v2sf);
	v6 =	vld [tilespmem:s16+$0x0]  }
0x2ff: {  	s0 =	sadd.s32 @p0 s0, s17  }
0x300: {  	[tilespmem:s17+$0x9100] =	vst.msk @p0 vm0, v5;
	s0 =	sadd.s32 @p0 $0x80000000, s0  }
0x301: {  	[tilespmem:s17+$0x9280] =	vst.msk @p0 vm0, v8;
	s15 =	smov.u32 @p0 s0  }
0x302: {  	[tilespmem:s15+$0x9100] =	vst.msk vm1, v61;
	s30 =	spop (v2sf)  }
0x303: {  	[tilespmem:s15+$0x9280] =	vst.msk vm1, v6;
	s31 =	spop (v2sf)  }
.LBB2_30:
0x304: {  	s3 =	simm.s32 $0x9120  }
0x305: {  	s0 =	simm.s32 $0x92A0;
	v10 =	vld [tilespmem:s3+$0x10]  }
0x306: {  	v7 =	vld [tilespmem:s0+$0x10]  }
0x307: {  	v12 =	vld [tilespmem:s3+$0xFFFFFFF0]  }
0x308: {  	v5 =	vld [tilespmem:s3+$0x0]  }
0x309: {  	v11 =	vld [tilespmem:s3+$0xFFFFFFE0]  }
0x30a: {  	v8 =	vld [tilespmem:s0+$0xFFFFFFE0]  }
0x30b: {  	v6 =	vld [tilespmem:s0+$0xFFFFFFF0];
	v14 =	vshra.s32 v10, $0x1F  }
0x30c: {  	s15 =	simm.s32 $0x9160;
	s3 =	simm.s32 $0x0;
	v9 =	vld [tilespmem:s0+$0x0];
	v13 =	vshra.s32 v12, $0x1F;
	v14 =	vand.u32 $0x7FFFFFFF, v14  }
.LBB2_31:
0x30d: {  	v13 =	vand.u32 $0x7FFFFFFF, v13;
	v15 =	vshra.s32 v5, $0x1F;
	v14 =	vxor.u32 v10, v14;
	v10 =	vld [tilespmem:s15+$0x10];
	s0 =	sadd.s32 $0x40, s0  }
0x30e: {  	s3 =	sadd.s32 $0x4, s3;
	v16 =	vshra.s32 v11, $0x1F;
	v13 =	vxor.u32 v12, v13;
	v15 =	vand.u32 $0x7FFFFFFF, v15;
	[tilespmem:v7+s11+$0x0] =	vst.idx.msk $0xffff, v14;
	v7 =	vld [tilespmem:s0+$0x10]  }
0x30f: {  	p0 =	slt.u32 s3, $0xC;
	v12 =	vld [tilespmem:s15+$0xFFFFFFF0];
	v14 =	vand.u32 $0x7FFFFFFF, v16;
	v15 =	vxor.u32 v5, v15  }
.Ltmp22:
0x310: {  	v5 =	vld [tilespmem:s15+$0x0];
	v14 =	vxor.u32 v11, v14;
	(pc) =	sbr.rel @p0 .LBB2_31-.Ltmp22, $4  }
0x311: {  	v11 =	vld [tilespmem:s15+$0xFFFFFFE0]  }
0x312: {  	[tilespmem:v8+s11+$0x0] =	vst.idx.msk $0xffff, v14;
	v8 =	vld [tilespmem:s0+$0xFFFFFFE0]  }
0x313: {  	v14 =	vshra.s32 v10, $0x1F;
	[tilespmem:v6+s11+$0x0] =	vst.idx.msk $0xffff, v13;
	v6 =	vld [tilespmem:s0+$0xFFFFFFF0]  }
0x314: {  	s15 =	sadd.s32 $0x40, s15;
	v14 =	vand.u32 $0x7FFFFFFF, v14;
	v13 =	vshra.s32 v12, $0x1F;
	[tilespmem:v9+s11+$0x0] =	vst.idx.msk $0xffff, v15;
	v9 =	vld [tilespmem:s0+$0x0]  }
0x315: {  	_ =	sdelay $0x4  }
0x316: {  	v10 =	vxor.u32 v10, v14;
	v13 =	vand.u32 $0x7FFFFFFF, v13;
	v15 =	vshra.s32 v11, $0x1F  }
0x317: {  	v63 =	vshra.s32 v5, $0x1F;
	[tilespmem:v7+s11+$0x0] =	vst.idx.msk $0xffff, v10;
	v10 =	vxor.u32 v12, v13;
	v62 =	vand.u32 $0x7FFFFFFF, v15  }
0x318: {  	v7 =	vxor.u32 v11, v62;
	v11 =	vand.u32 $0x7FFFFFFF, v63;
	[tilespmem:v6+s11+$0x0] =	vst.idx.msk $0xffff, v10  }
0x319: {  	s0 =	rddreg [dreg:$0x1];
	[tilespmem:v8+s11+$0x0] =	vst.idx.msk $0xffff, v7;
	v5 =	vxor.u32 v5, v11  }
0x31a: {  	s0 =	sadd.s32 s0, s14;
	[tilespmem:v9+s11+$0x0] =	vst.idx.msk $0xffff, v5  }
0x31b: {  	[hbm4b:s0+s7] =	stream.strided.scatter [tilespmem:s11], [sflag:$0x1], $0x2000, s8, s7, $0x38;
	[tilespmem:$0x9400] =	vst v63  }
0x31c: {  	_ =	swait.ge [sflag:s9], $0x2000  }
0x31d: {  	[sflag:s9] =	ssyncset.done $0x0  }
0x31e: {  	s1 =	simm.s32 $0x92A0;
	[sflag:s9] =	ssyncadd.s32 $0xFFFFE000  }
0x31f: {  	v7 =	vld [tilespmem:s1+$0x10]  }
0x320: {  	v8 =	vld [tilespmem:s1+$0xFFFFFFF0]  }
0x321: {  	v5 =	vld [tilespmem:s1+$0x0]  }
0x322: {  	v6 =	vld [tilespmem:s1+$0xFFFFFFE0];
	_ =	sdelay $0x3  }
0x323: {  	s3 =	simm.s32 $0x92E0;
	s0 =	simm.s32 $0x0  }
.LBB2_33:
0x324: {  	s0 =	sadd.s32 $0x4, s0;
	[tilespmem:v7+s11+$0x0] =	vst.idx.msk $0xffff, v2;
	v7 =	vld [tilespmem:s3+$0x10]  }
0x325: {  	p0 =	slt.u32 s0, $0xC;
	[tilespmem:v8+s11+$0x0] =	vst.idx.msk $0xffff, v2;
	v8 =	vld [tilespmem:s3+$0xFFFFFFF0]  }
0x326: {  	[tilespmem:v5+s11+$0x0] =	vst.idx.msk $0xffff, v2;
	v5 =	vld [tilespmem:s3+$0x0]  }
.Ltmp23:
0x327: {  	[tilespmem:v6+s11+$0x0] =	vst.idx.msk $0xffff, v2;
	v6 =	vld [tilespmem:s3+$0xFFFFFFE0];
	(pc) =	sbr.rel @p0 .LBB2_33-.Ltmp23, $2  }
0x328: {  	_ =	sdelay $0x2  }
0x329: {  	s3 =	sadd.s32 $0x40, s3  }
0x32a: {  	_ = 	snop  }
0x32b: {  	s13 =	sadd.s32 $0x1, s13  }
0x32c: {  	p0 =	sne.s32 s13, $0x4  }
.Ltmp24:
0x32d: {  	_ = 	snop;
	(pc) =	sbr.rel @p0 .LBB2_4-.Ltmp24, $4  }
.Ltmp25:
0x32e: {  	[tilespmem:v7+s11+$0x0] =	vst.idx.msk $0xffff, v2;
	(pc) =	sbr.rel @!p0 .LBB2_35-.Ltmp25, $4  }
0x32f: {  	[tilespmem:v8+s11+$0x0] =	vst.idx.msk $0xffff, v2  }
0x330: {  	[tilespmem:v5+s11+$0x0] =	vst.idx.msk $0xffff, v2  }
0x331: {  	[tilespmem:v6+s11+$0x0] =	vst.idx.msk $0xffff, v2  }
0x332: {  	_ = 	snop  }
.LBB2_12:
.Ltmp26:
0x333: {  	(pc) =	sbr.rel .LBB2_17-.Ltmp26, $2  }
0x334: {  	_ =	sdelay $0x2  }
0x335: {  	_ = 	snop  }
.LBB2_20:
.Ltmp27:
0x336: {  	(pc) =	sbr.rel .LBB2_25-.Ltmp27, $2  }
0x337: {  	_ =	sdelay $0x2  }
0x338: {  	_ = 	snop  }
.LBB2_28:
.Ltmp28:
0x339: {  	(pc) =	sbr.rel .LBB2_41-.Ltmp28, $2  }
0x33a: {  	_ =	sdelay $0x2  }
0x33b: {  	_ = 	snop  }
.LBB2_14:
.Ltmp29:
0x33c: {  	(pc) =	sbr.rel .LBB2_17-.Ltmp29, $2  }
0x33d: {  	_ =	sdelay $0x2  }
0x33e: {  	v10 =	vmov v9  }
.LBB2_22:
.Ltmp30:
0x33f: {  	(pc) =	sbr.rel .LBB2_25-.Ltmp30, $2  }
0x340: {  	_ =	sdelay $0x2  }
0x341: {  	v10 =	vmov v9  }
.LBB2_38:
.Ltmp31:
0x342: {  	(pc) =	sbr.rel .LBB2_41-.Ltmp31, $2  }
0x343: {  	_ =	sdelay $0x2  }
0x344: {  	v10 =	vmov v9  }
.LBB2_44:
.Ltmp32:
0x345: {  	(pc) =	sbr.rel .LBB2_46-.Ltmp32, $3  }
0x346: {  	_ =	sdelay $0x1  }
0x347: {  	s17 =	simm.s32 $0x0  }
0x348: {  	s21 =	simm.s32 $0x3000;
	s22 =	smov.u32 s18;
	s20 =	simm.s32 $0x5080  }
.LBB2_36:
0x349: {  	_ =	sfence.sel $0x180000  }
0x34a: {  	[bflag:$0x0] =	sbarrier.arrive $0xFFFF  }
0x34b: {  	_ =	strace $0x90000047  }
0x34c: {  	s0 =	stileid.u32;
	[bflag:$0x2] =	sbarrier.arrive $0xFFFF  }
0x34d: {  	p0 =	sne.s32 s0, $0x0;
	s0 =	rddreg [dreg:$0x2]  }
0x34e: {  	s0 =	sadd.s32 @!p0 $0x100000, s0  }
0x34f: {  	[sflag:s0] =	ssyncadd.tile.s32 @!p0 $0x1;
	_ =	shalt  }
.Lfunc_end2:
_tile_overlayer_lowered:
.L_overlay_start_2:
0x350: {  	(tag) =	ssettag $0x2  }
0x351: {  	s0 =	rddreg [dreg:$0x0];
	s2 =	stileid.u32  }
0x352: {  	s1 =	rddreg [dreg:$0x1];
	p0 =	sne.s32 s2, $0x0  }
0x353: {  	s3 =	rddreg [dreg:$0x2];
	[bflag:$0x3] =	sbarrier.arrive $0xFFFF;
	s2 =	simm.s32 @!p0 $0x1C01  }
0x354: {  	[timem:s3], [sflag:s2] =	dma.local @!p0 [hbm:s0], s1  }
0x355: {  	s0 =	simm.s32 @!p0 $0x1  }
0x356: {  	_ =	swait.ge @!p0 [sflag:s0], s1  }
0x357: {  	s1 =	ssub.s32 @!p0 $0x0, s1;
	[sflag:s0] =	ssyncset.done @!p0 $0x0  }
0x358: {  	[sflag:s0] =	ssyncadd.s32 @!p0 s1  }
0x359: {  	[bflag:$0x3] =	sbarrier.arrive $0xFFFF  }
0x35a: {  	_ =	shalt  }

</sc_bundles>
